<compile_context>
chip_gen: v7x
topology: tpu7x:2x2x1
jax: 0.10.2.dev20260603
libtpu: 0.0.44.dev20260713+nightly
codegen_flags: <defaults>
</compile_context>

<pallas_src>
import functools

import jax
import jax.numpy as jnp
from jax import lax
from jax.experimental import pallas as pl
from jax.experimental.pallas import tpu as pltpu
from jax.experimental.pallas import tpu_sc as plsc

_N = 10000
_E = 320000
_D = 128
_H = 96
_G = 256

_NC = 2
_NS = 16
_NW = _NC * _NS
_EPW = _E // _NW
_CH = 128
_NCHUNK = 80
_EPAD = _NW * _NCHUNK * _CH
_NPAD = 10240
_RPS = _NPAD // _NS
_W = 128


def _sc_scatter_add(table, src, dst):
    mesh = plsc.VectorSubcoreMesh(core_axis_name="c", subcore_axis_name="s")

    @functools.partial(
        pl.kernel,
        out_type=jax.ShapeDtypeStruct((_NC * _NPAD, _W), jnp.float32),
        mesh=mesh,
        scratch_types=[
            pltpu.VMEM((_CH,), jnp.int32),
            pltpu.VMEM((_CH,), jnp.int32),
            pltpu.VMEM((_CH,), jnp.int32),
            pltpu.VMEM((_CH,), jnp.int32),
            pltpu.VMEM((_CH, _W), jnp.float32),
            pltpu.VMEM((_CH, _W), jnp.float32),
            pltpu.VMEM_SHARED((_NPAD, _W), jnp.float32),
            pltpu.SemaphoreType.DMA,
            pltpu.SemaphoreType.DMA,
            pltpu.SemaphoreType.DMA,
            pltpu.SemaphoreType.DMA,
        ],
    )
    def k(t_hbm, src_hbm, dst_hbm, out_hbm, sidx0, didx0, sidx1, didx1,
          rows0, rows1, acc, semi0, semi1, semg0, semg1):
        cid = lax.axis_index("c")
        sid = lax.axis_index("s")
        wid = sid * _NC + cid
        base = wid * _NCHUNK * _CH

        def istart(c, sbuf, dbuf, sem):
            pltpu.async_copy(src_hbm.at[pl.ds(base + c * _CH, _CH)], sbuf, sem)
            pltpu.async_copy(dst_hbm.at[pl.ds(base + c * _CH, _CH)], dbuf, sem)

        def iwait(sbuf, dbuf, sem):
            pltpu.make_async_copy(src_hbm.at[pl.ds(0, _CH)], sbuf, sem).wait()
            pltpu.make_async_copy(dst_hbm.at[pl.ds(0, _CH)], dbuf, sem).wait()

        def gstart(sbuf, buf, sem):
            pltpu.async_copy(t_hbm.at[sbuf], buf, sem)

        def gwait(buf, sem):
            pltpu.make_async_copy(t_hbm.at[sidx0], buf, sem).wait()

        def sadd(buf, dbuf):
            pltpu.sync_copy(buf, acc.at[dbuf], add=True)

        istart(0, sidx0, didx0, semi0)
        istart(1, sidx1, didx1, semi1)

        @pl.loop(0, _CH)
        def _(i):
            @pl.loop(0, _W, step=16)
            def _(j):
                rows1[i, pl.ds(j, 16)] = jnp.zeros((16,), jnp.float32)

        @pl.loop(0, _RPS, step=_CH)
        def _(r):
            pltpu.sync_copy(rows1, acc.at[pl.ds(sid * _RPS + r, _CH)])

        iwait(sidx0, didx0, semi0)
        plsc.subcore_barrier()

        gstart(sidx0, rows0, semg0)

        @pl.loop(0, _NCHUNK - 2, step=2)
        def _(g):
            iwait(sidx1, didx1, semi1)
            gwait(rows0, semg0)
            gstart(sidx1, rows1, semg1)
            sadd(rows0, didx0)
            istart(g + 2, sidx0, didx0, semi0)
            gwait(rows1, semg1)
            iwait(sidx0, didx0, semi0)
            gstart(sidx0, rows0, semg0)
            sadd(rows1, didx1)
            istart(g + 3, sidx1, didx1, semi1)

        iwait(sidx1, didx1, semi1)
        gwait(rows0, semg0)
        gstart(sidx1, rows1, semg1)
        sadd(rows0, didx0)
        gwait(rows1, semg1)
        sadd(rows1, didx1)

        plsc.subcore_barrier()

        pltpu.sync_copy(
            acc.at[pl.ds(sid * _RPS, _RPS)],
            out_hbm.at[pl.ds(cid * _NPAD + sid * _RPS, _RPS)],
        )

    return k(table, src, dst)


def _mish(x):
    u = jnp.exp(jnp.minimum(x, 20.0))
    w = u * u + 2.0 * u
    return x * jnp.where(x > 20.0, 1.0, w / (w + 2.0))


def _bn(u, g, b):
    m = jnp.mean(u, axis=0, keepdims=True)
    v = jnp.mean((u - m) * (u - m), axis=0, keepdims=True)
    return g * (u - m) * lax.rsqrt(v + 1e-5) + b


def _tc_conv_stage(x, spart, w1, b1, w2, b2, g, bb):

    def body(x_ref, s_ref, w1_ref, b1_ref, w2_ref, b2_ref, g_ref, bb_ref,
             o_ref):
        v = x_ref[...] + s_ref[pl.ds(0, _N), :] + s_ref[pl.ds(_NPAD, _N), :]
        t = jnp.dot(v, w1_ref[...], preferred_element_type=jnp.float32)
        u = jnp.dot(_mish(t + b1_ref[...]), w2_ref[...],
                    preferred_element_type=jnp.float32) + b2_ref[...]
        h = _bn(_mish(u), g_ref[...], bb_ref[...])
        o_ref[...] = jnp.concatenate(
            [h, jnp.zeros((_N, _W - _H), jnp.float32)], axis=1)

    return pl.pallas_call(
        body,
        out_shape=jax.ShapeDtypeStruct((_N, _W), jnp.float32),
    )(x, spart, w1, b1, w2, b2, g, bb)


def _tc_final_stage(h, spart, w1, b1, w2, b2, g, bb, batch,
                    fxw, fxb, f1w, f1b, f2w, f2b, ow, ob):

    def body(h_ref, s_ref, w1_ref, b1_ref, w2_ref, b2_ref, g_ref, bb_ref,
             batch_ref, fxw_ref, fxb_ref, f1w_ref, f1b_ref, f2w_ref, f2b_ref,
             ow_ref, ob_ref, o_ref):
        v = h_ref[...] + s_ref[pl.ds(0, _N), :] + s_ref[pl.ds(_NPAD, _N), :]
        t = jnp.dot(v, w1_ref[...], preferred_element_type=jnp.float32)
        u = jnp.dot(_mish(t + b1_ref[...]), w2_ref[...],
                    preferred_element_type=jnp.float32) + b2_ref[...]
        h2 = _bn(_mish(u), g_ref[...], bb_ref[...])

        gid = lax.broadcasted_iota(jnp.int32, (_G, _N), 0)
        onehot = jnp.where(gid == batch_ref[...], 1.0, 0.0)
        pooled = jnp.dot(onehot, h2, preferred_element_type=jnp.float32,
                         precision=lax.Precision.HIGHEST)

        z = _mish(jnp.dot(pooled, fxw_ref[...],
                          preferred_element_type=jnp.float32) + fxb_ref[...])
        z = _mish(jnp.dot(z, f1w_ref[...],
                          preferred_element_type=jnp.float32) + f1b_ref[...])
        z = _mish(jnp.dot(z, f2w_ref[...],
                          preferred_element_type=jnp.float32) + f2b_ref[...])
        o_ref[...] = jnp.dot(z, ow_ref[...],
                             preferred_element_type=jnp.float32) + ob_ref[...]

    return pl.pallas_call(
        body,
        out_shape=jax.ShapeDtypeStruct((_G, 1), jnp.float32),
    )(h, spart, w1, b1, w2, b2, g, bb, batch,
      fxw, fxb, f1w, f1b, f2w, f2b, ow, ob)


def kernel(x, edge_index, batch,
           conv1_w1, conv1_b1, conv1_w2, conv1_b2, bn1_g, bn1_b,
           conv2_w1, conv2_b1, conv2_w2, conv2_b2, bn2_g, bn2_b,
           fc_xd_w, fc_xd_b, fc1_w, fc1_b, fc2_w, fc2_b, out_w, out_b):
    ar = jnp.arange(_EPAD - _E, dtype=jnp.int32)
    src = jnp.concatenate([edge_index[0], ar % _N])
    dst = jnp.concatenate([edge_index[1], _N + ar % (_NPAD - _N)])
    batch_row = batch.reshape(1, _N)
    r = lambda v: v.reshape(1, -1)
    w21 = jnp.pad(conv2_w1, ((0, _W - _H), (0, 0)))

    s1 = _sc_scatter_add(x, src, dst)
    hpad = _tc_conv_stage(x, s1, conv1_w1, r(conv1_b1), conv1_w2,
                          r(conv1_b2), r(bn1_g), r(bn1_b))

    s2 = _sc_scatter_add(hpad, src, dst)
    return _tc_final_stage(hpad, s2, w21, r(conv2_b1), conv2_w2, r(conv2_b2),
                           r(bn2_g), r(bn2_b), batch_row,
                           fc_xd_w, r(fc_xd_b), fc1_w, r(fc1_b),
                           fc2_w, r(fc2_b), out_w, r(out_b))

# --- scband reference (transcript-rebuilt; emitter-appended) ---
"""Pipeline reference for scband-gin-model-36352603194120 (READ-ONLY COPY).

The authoritative reference and input builder live on the scoring server;
editing this copy changes nothing except your own understanding.
"""

import jax, jax.numpy as jnp
import numpy as np

N = 10000
E = 320000
D = 128
H = 96
OUT = 128
G = 256


def mish(x):
    return x * jnp.tanh(jax.nn.softplus(x))


def bn(x, g, b):
    m = x.mean(axis=0)
    v = x.var(axis=0)
    return g * (x - m) / jnp.sqrt(v + 1e-5) + b


def setup_inputs(seed: int = 0) -> dict:
    key = jax.random.key(seed)
    ks = jax.random.split(key, 24)

    def p(k, shape, scale=0.1):
        return jax.random.normal(k, shape, dtype=jnp.float32) * scale

    inp = {}
    inp['x'] = jax.random.normal(ks[0], (N, D), dtype=jnp.float32)
    inp['edge_index'] = jax.random.randint(ks[1], (2, E), 0, N, dtype=jnp.int32)
    inp['batch'] = jnp.sort(jax.random.randint(ks[2], (N,), 0, G, dtype=jnp.int32))
    # GINConv1 MLP: Linear(D,H), Mish, Linear(H,H)
    inp['conv1_w1'] = p(ks[3], (D, H))
    inp['conv1_b1'] = p(ks[4], (H,))
    inp['conv1_w2'] = p(ks[5], (H, H))
    inp['conv1_b2'] = p(ks[6], (H,))
    inp['bn1_g'] = jnp.ones((H,), dtype=jnp.float32)
    inp['bn1_b'] = jnp.zeros((H,), dtype=jnp.float32)
    # GINConv2 MLP: Linear(H,H), Mish, Linear(H,H)
    inp['conv2_w1'] = p(ks[7], (H, H))
    inp['conv2_b1'] = p(ks[8], (H,))
    inp['conv2_w2'] = p(ks[9], (H, H))
    inp['conv2_b2'] = p(ks[10], (H,))
    inp['bn2_g'] = jnp.ones((H,), dtype=jnp.float32)
    inp['bn2_b'] = jnp.zeros((H,), dtype=jnp.float32)
    # heads
    inp['fc_xd_w'] = p(ks[11], (H, OUT))
    inp['fc_xd_b'] = p(ks[12], (OUT,))
    inp['fc1_w'] = p(ks[13], (OUT, 512))
    inp['fc1_b'] = p(ks[14], (512,))
    inp['fc2_w'] = p(ks[15], (512, 128))
    inp['fc2_b'] = p(ks[16], (128,))
    inp['out_w'] = p(ks[17], (128, 1))
    inp['out_b'] = p(ks[18], (1,))
    return inp


def reference(x, edge_index, batch,
              conv1_w1, conv1_b1, conv1_w2, conv1_b2, bn1_g, bn1_b,
              conv2_w1, conv2_b1, conv2_w2, conv2_b2, bn2_g, bn2_b,
              fc_xd_w, fc_xd_b, fc1_w, fc1_b, fc2_w, fc2_b, out_w, out_b):
    src = edge_index[0]
    dst = edge_index[1]
    # GINConv 1: (1+eps)*x + sum_{j in N(i)} x_j, eps=0, then MLP
    agg = jnp.zeros_like(x).at[dst].add(x[src])
    h = x + agg
    h = mish(h @ conv1_w1 + conv1_b1) @ conv1_w2 + conv1_b2
    h = mish(h)
    h = bn(h, bn1_g, bn1_b)
    # GINConv 2
    agg2 = jnp.zeros_like(h).at[dst].add(h[src])
    h2 = h + agg2
    h2 = mish(h2 @ conv2_w1 + conv2_b1) @ conv2_w2 + conv2_b2
    h2 = mish(h2)
    h2 = bn(h2, bn2_g, bn2_b)
    # global add pool over graph ids
    pooled = jax.ops.segment_sum(h2, batch, num_segments=G)
    z = mish(pooled @ fc_xd_w + fc_xd_b)
    # dropout treated as identity (eval mode)
    z = mish(z @ fc1_w + fc1_b)
    z = mish(z @ fc2_w + fc2_b)
    return z @ out_w + out_b

if __name__ == "__main__":
    import jax
    _d = setup_inputs()
    print(jax.jit(kernel)(*tuple(_d.values())))

</pallas_src>

<mosaic_0001>
#map = affine_map<(d0, d1) -> (0, 0)>
#map1 = affine_map<(d0, d1) -> (0)>
module attributes {stable_mosaic.version = 14 : i64} {
  func.func @k(%arg0: i32, %arg1: i32, %arg2: memref<10000x128xf32, #tpu.memory_space<hbm>>, %arg3: memref<327680xi32, #tpu.memory_space<hbm>>, %arg4: memref<327680xi32, #tpu.memory_space<hbm>>, %arg5: memref<20480x128xf32, #tpu.memory_space<hbm>>, %arg6: memref<128xi32, #tpu.memory_space<vmem>>, %arg7: memref<128xi32, #tpu.memory_space<vmem>>, %arg8: memref<128xi32, #tpu.memory_space<vmem>>, %arg9: memref<128xi32, #tpu.memory_space<vmem>>, %arg10: memref<128x128xf32, #tpu.memory_space<vmem>>, %arg11: memref<128x128xf32, #tpu.memory_space<vmem>>, %arg12: memref<10240x128xf32, #tpu.memory_space<vmem_shared>>, %arg13: memref<!tpu.dma_semaphore, #tpu.memory_space<semaphore_mem>>, %arg14: memref<!tpu.dma_semaphore, #tpu.memory_space<semaphore_mem>>, %arg15: memref<!tpu.dma_semaphore, #tpu.memory_space<semaphore_mem>>, %arg16: memref<!tpu.dma_semaphore, #tpu.memory_space<semaphore_mem>>) attributes {dimension_semantics = [#tpu.dimension_semantics<core_parallel>, #tpu.dimension_semantics<subcore_parallel>], iteration_bounds = array<i64: 2, 16>, scalar_prefetch = 0 : i64, scratch_operands = 11 : i64, tpu.core_type = #tpu.core_type<sc_vector_subcore>, window_params = [{transform_indices = #map}, {transform_indices = #map1}, {transform_indices = #map1}, {transform_indices = #map}]} {
    %mul3A = arith.constant 2 : i32
    %mul3A_0 = arith.muli %arg1, %mul3A : i32
    %add3A = arith.addi %mul3A_0, %arg0 : i32
    %mul3A_1 = arith.constant 80 : i32
    %mul3A_2 = arith.muli %add3A, %mul3A_1 : i32
    %mul3A_3 = arith.constant 128 : i32
    %mul3A_4 = arith.muli %mul3A_2, %mul3A_3 : i32
    %add3A_5 = arith.constant 0 : i32
    %add3A_6 = arith.addi %mul3A_4, %add3A_5 : i32
    %dma_start3A = tpu.memref_slice %arg3[%add3A_6] : memref<327680xi32, #tpu.memory_space<hbm>> -> memref<128xi32, #tpu.memory_space<hbm>>
    %dma_start3A_7 = tpu.memref_slice %arg3[%add3A_6] : memref<327680xi32, #tpu.memory_space<hbm>> -> memref<128xi32, #tpu.memory_space<hbm>>
    tpu.enqueue_dma source(%dma_start3A_7 : memref<128xi32, #tpu.memory_space<hbm>>) target(%arg6 : memref<128xi32, #tpu.memory_space<vmem>>) target_semaphore(%arg13 : memref<!tpu.dma_semaphore, #tpu.memory_space<semaphore_mem>>)
    %add3A_8 = arith.constant 0 : i32
    %add3A_9 = arith.addi %mul3A_4, %add3A_8 : i32
    %dma_start3A_10 = tpu.memref_slice %arg4[%add3A_9] : memref<327680xi32, #tpu.memory_space<hbm>> -> memref<128xi32, #tpu.memory_space<hbm>>
    %dma_start3A_11 = tpu.memref_slice %arg4[%add3A_9] : memref<327680xi32, #tpu.memory_space<hbm>> -> memref<128xi32, #tpu.memory_space<hbm>>
    tpu.enqueue_dma source(%dma_start3A_11 : memref<128xi32, #tpu.memory_space<hbm>>) target(%arg7 : memref<128xi32, #tpu.memory_space<vmem>>) target_semaphore(%arg13 : memref<!tpu.dma_semaphore, #tpu.memory_space<semaphore_mem>>)
    %add3A_12 = arith.constant 128 : i32
    %add3A_13 = arith.addi %mul3A_4, %add3A_12 : i32
    %dma_start3A_14 = tpu.memref_slice %arg3[%add3A_13] : memref<327680xi32, #tpu.memory_space<hbm>> -> memref<128xi32, #tpu.memory_space<hbm>>
    %dma_start3A_15 = tpu.memref_slice %arg3[%add3A_13] : memref<327680xi32, #tpu.memory_space<hbm>> -> memref<128xi32, #tpu.memory_space<hbm>>
    tpu.enqueue_dma source(%dma_start3A_15 : memref<128xi32, #tpu.memory_space<hbm>>) target(%arg8 : memref<128xi32, #tpu.memory_space<vmem>>) target_semaphore(%arg14 : memref<!tpu.dma_semaphore, #tpu.memory_space<semaphore_mem>>)
    %add3A_16 = arith.constant 128 : i32
    %add3A_17 = arith.addi %mul3A_4, %add3A_16 : i32
    %dma_start3A_18 = tpu.memref_slice %arg4[%add3A_17] : memref<327680xi32, #tpu.memory_space<hbm>> -> memref<128xi32, #tpu.memory_space<hbm>>
    %dma_start3A_19 = tpu.memref_slice %arg4[%add3A_17] : memref<327680xi32, #tpu.memory_space<hbm>> -> memref<128xi32, #tpu.memory_space<hbm>>
    tpu.enqueue_dma source(%dma_start3A_19 : memref<128xi32, #tpu.memory_space<hbm>>) target(%arg9 : memref<128xi32, #tpu.memory_space<vmem>>) target_semaphore(%arg14 : memref<!tpu.dma_semaphore, #tpu.memory_space<semaphore_mem>>)
    %scan3A = arith.constant 0 : i32
    %scan3A_20 = arith.constant 128 : i32
    %scan3A_21 = arith.addi %scan3A, %scan3A_20 : i32
    %scan3A_22 = arith.constant 1 : i32
    scf.for %scan3A_69 = %scan3A to %scan3A_21 step %scan3A_22  : i32 {
      %mul3A_70 = arith.constant 1 : i32
      %mul3A_71 = arith.muli %scan3A_69, %mul3A_70 : i32
      %add3A_72 = arith.constant 0 : i32
      %add3A_73 = arith.addi %add3A_72, %mul3A_71 : i32
      %scan3A_74 = arith.constant 0 : i32
      %scan3A_75 = arith.constant 8 : i32
      %scan3A_76 = arith.addi %scan3A_74, %scan3A_75 : i32
      %scan3A_77 = arith.constant 1 : i32
      scf.for %scan3A_79 = %scan3A_74 to %scan3A_76 step %scan3A_77  : i32 {
        %mul3A_80 = arith.constant 16 : i32
        %mul3A_81 = arith.muli %scan3A_79, %mul3A_80 : i32
        %add3A_82 = arith.constant 0 : i32
        %add3A_83 = arith.addi %add3A_82, %mul3A_81 : i32
        %broadcast_in_dim3A = arith.constant 0.000000e+00 : f32
        %broadcast_in_dim3A_84 = vector.broadcast %broadcast_in_dim3A : f32 to vector<16xf32>
        %swap3A = arith.index_cast %add3A_73 : i32 to index
        %swap3A_85 = arith.index_cast %add3A_83 : i32 to index
        %swap3A_86 = tpu.vector_load %arg11[%swap3A, %swap3A_85] {strides = array<i32>} : memref<128x128xf32, #tpu.memory_space<vmem>>, vector<1x16xf32>,
        %swap3A_87 = vector.shape_cast %swap3A_86 : vector<1x16xf32> to vector<16xf32>
        %swap3A_88 = vector.shape_cast %broadcast_in_dim3A_84 : vector<16xf32> to vector<1x16xf32>
        tpu.vector_store %arg11[%swap3A, %swap3A_85], %swap3A_88 {strides = array<i32>} : memref<128x128xf32, #tpu.memory_space<vmem>>, vector<1x16xf32>,
      }
      %scan3A_78 = arith.constant 8 : i32
    }
    %scan3A_23 = arith.constant 128 : i32
    %scan3A_24 = arith.constant 0 : i32
    %scan3A_25 = arith.constant 5 : i32
    %scan3A_26 = arith.addi %scan3A_24, %scan3A_25 : i32
    %scan3A_27 = arith.constant 1 : i32
    scf.for %scan3A_69 = %scan3A_24 to %scan3A_26 step %scan3A_27  : i32 {
      %mul3A_70 = arith.constant 128 : i32
      %mul3A_71 = arith.muli %scan3A_69, %mul3A_70 : i32
      %add3A_72 = arith.constant 0 : i32
      %add3A_73 = arith.addi %add3A_72, %mul3A_71 : i32
      %mul3A_74 = arith.constant 640 : i32
      %mul3A_75 = arith.muli %arg1, %mul3A_74 : i32
      %add3A_76 = arith.addi %mul3A_75, %add3A_73 : i32
      "tpu.region"() ({
        %run_scoped3A = tpu.sem_alloc : memref<!tpu.dma_semaphore, #tpu.memory_space<semaphore_mem>>
        %dma_start3A_77 = arith.constant 0 : i32
        %dma_start3A_78 = tpu.memref_slice %arg12[%add3A_76, %dma_start3A_77] : memref<10240x128xf32, #tpu.memory_space<vmem_shared>> -> memref<128x128xf32, #tpu.memory_space<vmem_shared>>
        %dma_start3A_79 = arith.constant 0 : i32
        %dma_start3A_80 = tpu.memref_slice %arg12[%add3A_76, %dma_start3A_79] : memref<10240x128xf32, #tpu.memory_space<vmem_shared>> -> memref<128x128xf32, #tpu.memory_space<vmem_shared>>
        tpu.enqueue_dma source(%arg11 : memref<128x128xf32, #tpu.memory_space<vmem>>) target(%dma_start3A_80 : memref<128x128xf32, #tpu.memory_space<vmem_shared>>) target_semaphore(%run_scoped3A : memref<!tpu.dma_semaphore, #tpu.memory_space<semaphore_mem>>)
        %dma_wait3A_81 = arith.constant 0 : i32
        %dma_wait3A_82 = tpu.memref_slice %arg12[%add3A_76, %dma_wait3A_81] : memref<10240x128xf32, #tpu.memory_space<vmem_shared>> -> memref<128x128xf32, #tpu.memory_space<vmem_shared>>
        %dma_wait3A_83 = arith.constant 0 : i32
        %dma_wait3A_84 = tpu.memref_slice %arg12[%add3A_76, %dma_wait3A_83] : memref<10240x128xf32, #tpu.memory_space<vmem_shared>> -> memref<128x128xf32, #tpu.memory_space<vmem_shared>>
        tpu.wait_dma2 semaphore(%run_scoped3A : memref<!tpu.dma_semaphore, #tpu.memory_space<semaphore_mem>>) src(%arg11 : memref<128x128xf32, #tpu.memory_space<vmem>>) dst(%dma_wait3A_84 : memref<128x128xf32, #tpu.memory_space<vmem_shared>>)
        tpu.yield
      }) : () -> ()
    }
    %scan3A_28 = arith.constant 5 : i32
    %dma_wait3A = arith.constant 0 : i32
    %dma_wait3A_29 = tpu.memref_slice %arg3[%dma_wait3A] : memref<327680xi32, #tpu.memory_space<hbm>> -> memref<128xi32, #tpu.memory_space<hbm>>
    %dma_wait3A_30 = arith.constant 0 : i32
    %dma_wait3A_31 = tpu.memref_slice %arg3[%dma_wait3A_30] : memref<327680xi32, #tpu.memory_space<hbm>> -> memref<128xi32, #tpu.memory_space<hbm>>
    tpu.wait_dma2 semaphore(%arg13 : memref<!tpu.dma_semaphore, #tpu.memory_space<semaphore_mem>>) src(%dma_wait3A_31 : memref<128xi32, #tpu.memory_space<hbm>>) dst(%arg6 : memref<128xi32, #tpu.memory_space<vmem>>)
    %dma_wait3A_32 = arith.constant 0 : i32
    %dma_wait3A_33 = tpu.memref_slice %arg4[%dma_wait3A_32] : memref<327680xi32, #tpu.memory_space<hbm>> -> memref<128xi32, #tpu.memory_space<hbm>>
    %dma_wait3A_34 = arith.constant 0 : i32
    %dma_wait3A_35 = tpu.memref_slice %arg4[%dma_wait3A_34] : memref<327680xi32, #tpu.memory_space<hbm>> -> memref<128xi32, #tpu.memory_space<hbm>>
    tpu.wait_dma2 semaphore(%arg13 : memref<!tpu.dma_semaphore, #tpu.memory_space<semaphore_mem>>) src(%dma_wait3A_35 : memref<128xi32, #tpu.memory_space<hbm>>) dst(%arg7 : memref<128xi32, #tpu.memory_space<vmem>>)
    %barrier3A = arith.constant 0 : index
    tpu.barrier barrier_id(%barrier3A)
    %dma_start3A_36 = arith.constant 0 : i32
    %dma_start3A_37 = arith.constant 0 : i32
    %dma_start3A_38 = tpu.memref_slice %arg2[%dma_start3A_36, %dma_start3A_37] : memref<10000x128xf32, #tpu.memory_space<hbm>> -> memref<10000x128xf32, #tpu.memory_space<hbm>>
    tpu.enqueue_indirect_dma source(%dma_start3A_38 : memref<10000x128xf32, #tpu.memory_space<hbm>>) target(%arg10 : memref<128x128xf32, #tpu.memory_space<vmem>>) offsets(%arg6 : memref<128xi32, #tpu.memory_space<vmem>>) semaphore(%arg15 : memref<!tpu.dma_semaphore, #tpu.memory_space<semaphore_mem>>)
    %scan3A_39 = arith.constant 0 : i32
    %scan3A_40 = arith.constant 39 : i32
    %scan3A_41 = arith.addi %scan3A_39, %scan3A_40 : i32
    %scan3A_42 = arith.constant 1 : i32
    scf.for %scan3A_69 = %scan3A_39 to %scan3A_41 step %scan3A_42  : i32 {
      %mul3A_70 = arith.constant 2 : i32
      %mul3A_71 = arith.muli %scan3A_69, %mul3A_70 : i32
      %add3A_72 = arith.constant 0 : i32
      %add3A_73 = arith.addi %add3A_72, %mul3A_71 : i32
      %dma_wait3A_74 = arith.constant 0 : i32
      %dma_wait3A_75 = tpu.memref_slice %arg3[%dma_wait3A_74] : memref<327680xi32, #tpu.memory_space<hbm>> -> memref<128xi32, #tpu.memory_space<hbm>>
      %dma_wait3A_76 = arith.constant 0 : i32
      %dma_wait3A_77 = tpu.memref_slice %arg3[%dma_wait3A_76] : memref<327680xi32, #tpu.memory_space<hbm>> -> memref<128xi32, #tpu.memory_space<hbm>>
      tpu.wait_dma2 semaphore(%arg14 : memref<!tpu.dma_semaphore, #tpu.memory_space<semaphore_mem>>) src(%dma_wait3A_77 : memref<128xi32, #tpu.memory_space<hbm>>) dst(%arg8 : memref<128xi32, #tpu.memory_space<vmem>>)
      %dma_wait3A_78 = arith.constant 0 : i32
      %dma_wait3A_79 = tpu.memref_slice %arg4[%dma_wait3A_78] : memref<327680xi32, #tpu.memory_space<hbm>> -> memref<128xi32, #tpu.memory_space<hbm>>
      %dma_wait3A_80 = arith.constant 0 : i32
      %dma_wait3A_81 = tpu.memref_slice %arg4[%dma_wait3A_80] : memref<327680xi32, #tpu.memory_space<hbm>> -> memref<128xi32, #tpu.memory_space<hbm>>
      tpu.wait_dma2 semaphore(%arg14 : memref<!tpu.dma_semaphore, #tpu.memory_space<semaphore_mem>>) src(%dma_wait3A_81 : memref<128xi32, #tpu.memory_space<hbm>>) dst(%arg9 : memref<128xi32, #tpu.memory_space<vmem>>)
      %dma_wait3A_82 = arith.constant 0 : i32
      %dma_wait3A_83 = arith.constant 0 : i32
      %dma_wait3A_84 = tpu.memref_slice %arg2[%dma_wait3A_82, %dma_wait3A_83] : memref<10000x128xf32, #tpu.memory_space<hbm>> -> memref<10000x128xf32, #tpu.memory_space<hbm>>
      tpu.wait_indirect_dma semaphore(%arg15 : memref<!tpu.dma_semaphore, #tpu.memory_space<semaphore_mem>>) src(%dma_wait3A_84 : memref<10000x128xf32, #tpu.memory_space<hbm>>) dst(%arg10 : memref<128x128xf32, #tpu.memory_space<vmem>>)
      %dma_start3A_85 = arith.constant 0 : i32
      %dma_start3A_86 = arith.constant 0 : i32
      %dma_start3A_87 = tpu.memref_slice %arg2[%dma_start3A_85, %dma_start3A_86] : memref<10000x128xf32, #tpu.memory_space<hbm>> -> memref<10000x128xf32, #tpu.memory_space<hbm>>
      tpu.enqueue_indirect_dma source(%dma_start3A_87 : memref<10000x128xf32, #tpu.memory_space<hbm>>) target(%arg11 : memref<128x128xf32, #tpu.memory_space<vmem>>) offsets(%arg8 : memref<128xi32, #tpu.memory_space<vmem>>) semaphore(%arg16 : memref<!tpu.dma_semaphore, #tpu.memory_space<semaphore_mem>>)
      "tpu.region"() ({
        %run_scoped3A = tpu.sem_alloc : memref<!tpu.dma_semaphore, #tpu.memory_space<semaphore_mem>>
        %dma_start3A_126 = arith.constant 0 : i32
        %dma_start3A_127 = arith.constant 0 : i32
        %dma_start3A_128 = tpu.memref_slice %arg12[%dma_start3A_126, %dma_start3A_127] : memref<10240x128xf32, #tpu.memory_space<vmem_shared>> -> memref<10240x128xf32, #tpu.memory_space<vmem_shared>>
        tpu.enqueue_indirect_dma source(%arg10 : memref<128x128xf32, #tpu.memory_space<vmem>>) target(%dma_start3A_128 : memref<10240x128xf32, #tpu.memory_space<vmem_shared>>) offsets(%arg7 : memref<128xi32, #tpu.memory_space<vmem>>) semaphore(%run_scoped3A : memref<!tpu.dma_semaphore, #tpu.memory_space<semaphore_mem>>) {add = true}
        %dma_wait3A_129 = arith.constant 0 : i32
        %dma_wait3A_130 = arith.constant 0 : i32
        %dma_wait3A_131 = tpu.memref_slice %arg12[%dma_wait3A_129, %dma_wait3A_130] : memref<10240x128xf32, #tpu.memory_space<vmem_shared>> -> memref<10240x128xf32, #tpu.memory_space<vmem_shared>>
        tpu.wait_indirect_dma semaphore(%run_scoped3A : memref<!tpu.dma_semaphore, #tpu.memory_space<semaphore_mem>>) src(%arg10 : memref<128x128xf32, #tpu.memory_space<vmem>>) dst(%dma_wait3A_131 : memref<10240x128xf32, #tpu.memory_space<vmem_shared>>)
        tpu.yield
      }) : () -> ()
      %add3A_88 = arith.constant 2 : i32
      %add3A_89 = arith.addi %add3A_73, %add3A_88 : i32
      %mul3A_90 = arith.constant 128 : i32
      %mul3A_91 = arith.muli %add3A_89, %mul3A_90 : i32
      %add3A_92 = arith.addi %mul3A_4, %mul3A_91 : i32
      %dma_start3A_93 = tpu.memref_slice %arg3[%add3A_92] : memref<327680xi32, #tpu.memory_space<hbm>> -> memref<128xi32, #tpu.memory_space<hbm>>
      %dma_start3A_94 = tpu.memref_slice %arg3[%add3A_92] : memref<327680xi32, #tpu.memory_space<hbm>> -> memref<128xi32, #tpu.memory_space<hbm>>
      tpu.enqueue_dma source(%dma_start3A_94 : memref<128xi32, #tpu.memory_space<hbm>>) target(%arg6 : memref<128xi32, #tpu.memory_space<vmem>>) target_semaphore(%arg13 : memref<!tpu.dma_semaphore, #tpu.memory_space<semaphore_mem>>)
      %mul3A_95 = arith.constant 128 : i32
      %mul3A_96 = arith.muli %add3A_89, %mul3A_95 : i32
      %add3A_97 = arith.addi %mul3A_4, %mul3A_96 : i32
      %dma_start3A_98 = tpu.memref_slice %arg4[%add3A_97] : memref<327680xi32, #tpu.memory_space<hbm>> -> memref<128xi32, #tpu.memory_space<hbm>>
      %dma_start3A_99 = tpu.memref_slice %arg4[%add3A_97] : memref<327680xi32, #tpu.memory_space<hbm>> -> memref<128xi32, #tpu.memory_space<hbm>>
      tpu.enqueue_dma source(%dma_start3A_99 : memref<128xi32, #tpu.memory_space<hbm>>) target(%arg7 : memref<128xi32, #tpu.memory_space<vmem>>) target_semaphore(%arg13 : memref<!tpu.dma_semaphore, #tpu.memory_space<semaphore_mem>>)
      %dma_wait3A_100 = arith.constant 0 : i32
      %dma_wait3A_101 = arith.constant 0 : i32
      %dma_wait3A_102 = tpu.memref_slice %arg2[%dma_wait3A_100, %dma_wait3A_101] : memref<10000x128xf32, #tpu.memory_space<hbm>> -> memref<10000x128xf32, #tpu.memory_space<hbm>>
      tpu.wait_indirect_dma semaphore(%arg16 : memref<!tpu.dma_semaphore, #tpu.memory_space<semaphore_mem>>) src(%dma_wait3A_102 : memref<10000x128xf32, #tpu.memory_space<hbm>>) dst(%arg11 : memref<128x128xf32, #tpu.memory_space<vmem>>)
      %dma_wait3A_103 = arith.constant 0 : i32
      %dma_wait3A_104 = tpu.memref_slice %arg3[%dma_wait3A_103] : memref<327680xi32, #tpu.memory_space<hbm>> -> memref<128xi32, #tpu.memory_space<hbm>>
      %dma_wait3A_105 = arith.constant 0 : i32
      %dma_wait3A_106 = tpu.memref_slice %arg3[%dma_wait3A_105] : memref<327680xi32, #tpu.memory_space<hbm>> -> memref<128xi32, #tpu.memory_space<hbm>>
      tpu.wait_dma2 semaphore(%arg13 : memref<!tpu.dma_semaphore, #tpu.memory_space<semaphore_mem>>) src(%dma_wait3A_106 : memref<128xi32, #tpu.memory_space<hbm>>) dst(%arg6 : memref<128xi32, #tpu.memory_space<vmem>>)
      %dma_wait3A_107 = arith.constant 0 : i32
      %dma_wait3A_108 = tpu.memref_slice %arg4[%dma_wait3A_107] : memref<327680xi32, #tpu.memory_space<hbm>> -> memref<128xi32, #tpu.memory_space<hbm>>
      %dma_wait3A_109 = arith.constant 0 : i32
      %dma_wait3A_110 = tpu.memref_slice %arg4[%dma_wait3A_109] : memref<327680xi32, #tpu.memory_space<hbm>> -> memref<128xi32, #tpu.memory_space<hbm>>
      tpu.wait_dma2 semaphore(%arg13 : memref<!tpu.dma_semaphore, #tpu.memory_space<semaphore_mem>>) src(%dma_wait3A_110 : memref<128xi32, #tpu.memory_space<hbm>>) dst(%arg7 : memref<128xi32, #tpu.memory_space<vmem>>)
      %dma_start3A_111 = arith.constant 0 : i32
      %dma_start3A_112 = arith.constant 0 : i32
      %dma_start3A_113 = tpu.memref_slice %arg2[%dma_start3A_111, %dma_start3A_112] : memref<10000x128xf32, #tpu.memory_space<hbm>> -> memref<10000x128xf32, #tpu.memory_space<hbm>>
      tpu.enqueue_indirect_dma source(%dma_start3A_113 : memref<10000x128xf32, #tpu.memory_space<hbm>>) target(%arg10 : memref<128x128xf32, #tpu.memory_space<vmem>>) offsets(%arg6 : memref<128xi32, #tpu.memory_space<vmem>>) semaphore(%arg15 : memref<!tpu.dma_semaphore, #tpu.memory_space<semaphore_mem>>)
      "tpu.region"() ({
        %run_scoped3A = tpu.sem_alloc : memref<!tpu.dma_semaphore, #tpu.memory_space<semaphore_mem>>
        %dma_start3A_126 = arith.constant 0 : i32
        %dma_start3A_127 = arith.constant 0 : i32
        %dma_start3A_128 = tpu.memref_slice %arg12[%dma_start3A_126, %dma_start3A_127] : memref<10240x128xf32, #tpu.memory_space<vmem_shared>> -> memref<10240x128xf32, #tpu.memory_space<vmem_shared>>
        tpu.enqueue_indirect_dma source(%arg11 : memref<128x128xf32, #tpu.memory_space<vmem>>) target(%dma_start3A_128 : memref<10240x128xf32, #tpu.memory_space<vmem_shared>>) offsets(%arg9 : memref<128xi32, #tpu.memory_space<vmem>>) semaphore(%run_scoped3A : memref<!tpu.dma_semaphore, #tpu.memory_space<semaphore_mem>>) {add = true}
        %dma_wait3A_129 = arith.constant 0 : i32
        %dma_wait3A_130 = arith.constant 0 : i32
        %dma_wait3A_131 = tpu.memref_slice %arg12[%dma_wait3A_129, %dma_wait3A_130] : memref<10240x128xf32, #tpu.memory_space<vmem_shared>> -> memref<10240x128xf32, #tpu.memory_space<vmem_shared>>
        tpu.wait_indirect_dma semaphore(%run_scoped3A : memref<!tpu.dma_semaphore, #tpu.memory_space<semaphore_mem>>) src(%arg11 : memref<128x128xf32, #tpu.memory_space<vmem>>) dst(%dma_wait3A_131 : memref<10240x128xf32, #tpu.memory_space<vmem_shared>>)
        tpu.yield
      }) : () -> ()
      %add3A_114 = arith.constant 3 : i32
      %add3A_115 = arith.addi %add3A_73, %add3A_114 : i32
      %mul3A_116 = arith.constant 128 : i32
      %mul3A_117 = arith.muli %add3A_115, %mul3A_116 : i32
      %add3A_118 = arith.addi %mul3A_4, %mul3A_117 : i32
      %dma_start3A_119 = tpu.memref_slice %arg3[%add3A_118] : memref<327680xi32, #tpu.memory_space<hbm>> -> memref<128xi32, #tpu.memory_space<hbm>>
      %dma_start3A_120 = tpu.memref_slice %arg3[%add3A_118] : memref<327680xi32, #tpu.memory_space<hbm>> -> memref<128xi32, #tpu.memory_space<hbm>>
      tpu.enqueue_dma source(%dma_start3A_120 : memref<128xi32, #tpu.memory_space<hbm>>) target(%arg8 : memref<128xi32, #tpu.memory_space<vmem>>) target_semaphore(%arg14 : memref<!tpu.dma_semaphore, #tpu.memory_space<semaphore_mem>>)
      %mul3A_121 = arith.constant 128 : i32
      %mul3A_122 = arith.muli %add3A_115, %mul3A_121 : i32
      %add3A_123 = arith.addi %mul3A_4, %mul3A_122 : i32
      %dma_start3A_124 = tpu.memref_slice %arg4[%add3A_123] : memref<327680xi32, #tpu.memory_space<hbm>> -> memref<128xi32, #tpu.memory_space<hbm>>
      %dma_start3A_125 = tpu.memref_slice %arg4[%add3A_123] : memref<327680xi32, #tpu.memory_space<hbm>> -> memref<128xi32, #tpu.memory_space<hbm>>
      tpu.enqueue_dma source(%dma_start3A_125 : memref<128xi32, #tpu.memory_space<hbm>>) target(%arg9 : memref<128xi32, #tpu.memory_space<vmem>>) target_semaphore(%arg14 : memref<!tpu.dma_semaphore, #tpu.memory_space<semaphore_mem>>)
    }
    %scan3A_43 = arith.constant 39 : i32
    %dma_wait3A_44 = arith.constant 0 : i32
    %dma_wait3A_45 = tpu.memref_slice %arg3[%dma_wait3A_44] : memref<327680xi32, #tpu.memory_space<hbm>> -> memref<128xi32, #tpu.memory_space<hbm>>
    %dma_wait3A_46 = arith.constant 0 : i32
    %dma_wait3A_47 = tpu.memref_slice %arg3[%dma_wait3A_46] : memref<327680xi32, #tpu.memory_space<hbm>> -> memref<128xi32, #tpu.memory_space<hbm>>
    tpu.wait_dma2 semaphore(%arg14 : memref<!tpu.dma_semaphore, #tpu.memory_space<semaphore_mem>>) src(%dma_wait3A_47 : memref<128xi32, #tpu.memory_space<hbm>>) dst(%arg8 : memref<128xi32, #tpu.memory_space<vmem>>)
    %dma_wait3A_48 = arith.constant 0 : i32
    %dma_wait3A_49 = tpu.memref_slice %arg4[%dma_wait3A_48] : memref<327680xi32, #tpu.memory_space<hbm>> -> memref<128xi32, #tpu.memory_space<hbm>>
    %dma_wait3A_50 = arith.constant 0 : i32
    %dma_wait3A_51 = tpu.memref_slice %arg4[%dma_wait3A_50] : memref<327680xi32, #tpu.memory_space<hbm>> -> memref<128xi32, #tpu.memory_space<hbm>>
    tpu.wait_dma2 semaphore(%arg14 : memref<!tpu.dma_semaphore, #tpu.memory_space<semaphore_mem>>) src(%dma_wait3A_51 : memref<128xi32, #tpu.memory_space<hbm>>) dst(%arg9 : memref<128xi32, #tpu.memory_space<vmem>>)
    %dma_wait3A_52 = arith.constant 0 : i32
    %dma_wait3A_53 = arith.constant 0 : i32
    %dma_wait3A_54 = tpu.memref_slice %arg2[%dma_wait3A_52, %dma_wait3A_53] : memref<10000x128xf32, #tpu.memory_space<hbm>> -> memref<10000x128xf32, #tpu.memory_space<hbm>>
    tpu.wait_indirect_dma semaphore(%arg15 : memref<!tpu.dma_semaphore, #tpu.memory_space<semaphore_mem>>) src(%dma_wait3A_54 : memref<10000x128xf32, #tpu.memory_space<hbm>>) dst(%arg10 : memref<128x128xf32, #tpu.memory_space<vmem>>)
    %dma_start3A_55 = arith.constant 0 : i32
    %dma_start3A_56 = arith.constant 0 : i32
    %dma_start3A_57 = tpu.memref_slice %arg2[%dma_start3A_55, %dma_start3A_56] : memref<10000x128xf32, #tpu.memory_space<hbm>> -> memref<10000x128xf32, #tpu.memory_space<hbm>>
    tpu.enqueue_indirect_dma source(%dma_start3A_57 : memref<10000x128xf32, #tpu.memory_space<hbm>>) target(%arg11 : memref<128x128xf32, #tpu.memory_space<vmem>>) offsets(%arg8 : memref<128xi32, #tpu.memory_space<vmem>>) semaphore(%arg16 : memref<!tpu.dma_semaphore, #tpu.memory_space<semaphore_mem>>)
    "tpu.region"() ({
      %run_scoped3A = tpu.sem_alloc : memref<!tpu.dma_semaphore, #tpu.memory_space<semaphore_mem>>
      %dma_start3A_69 = arith.constant 0 : i32
      %dma_start3A_70 = arith.constant 0 : i32
      %dma_start3A_71 = tpu.memref_slice %arg12[%dma_start3A_69, %dma_start3A_70] : memref<10240x128xf32, #tpu.memory_space<vmem_shared>> -> memref<10240x128xf32, #tpu.memory_space<vmem_shared>>
      tpu.enqueue_indirect_dma source(%arg10 : memref<128x128xf32, #tpu.memory_space<vmem>>) target(%dma_start3A_71 : memref<10240x128xf32, #tpu.memory_space<vmem_shared>>) offsets(%arg7 : memref<128xi32, #tpu.memory_space<vmem>>) semaphore(%run_scoped3A : memref<!tpu.dma_semaphore, #tpu.memory_space<semaphore_mem>>) {add = true}
      %dma_wait3A_72 = arith.constant 0 : i32
      %dma_wait3A_73 = arith.constant 0 : i32
      %dma_wait3A_74 = tpu.memref_slice %arg12[%dma_wait3A_72, %dma_wait3A_73] : memref<10240x128xf32, #tpu.memory_space<vmem_shared>> -> memref<10240x128xf32, #tpu.memory_space<vmem_shared>>
      tpu.wait_indirect_dma semaphore(%run_scoped3A : memref<!tpu.dma_semaphore, #tpu.memory_space<semaphore_mem>>) src(%arg10 : memref<128x128xf32, #tpu.memory_space<vmem>>) dst(%dma_wait3A_74 : memref<10240x128xf32, #tpu.memory_space<vmem_shared>>)
      tpu.yield
    }) : () -> ()
    %dma_wait3A_58 = arith.constant 0 : i32
    %dma_wait3A_59 = arith.constant 0 : i32
    %dma_wait3A_60 = tpu.memref_slice %arg2[%dma_wait3A_58, %dma_wait3A_59] : memref<10000x128xf32, #tpu.memory_space<hbm>> -> memref<10000x128xf32, #tpu.memory_space<hbm>>
    tpu.wait_indirect_dma semaphore(%arg16 : memref<!tpu.dma_semaphore, #tpu.memory_space<semaphore_mem>>) src(%dma_wait3A_60 : memref<10000x128xf32, #tpu.memory_space<hbm>>) dst(%arg11 : memref<128x128xf32, #tpu.memory_space<vmem>>)
    "tpu.region"() ({
      %run_scoped3A = tpu.sem_alloc : memref<!tpu.dma_semaphore, #tpu.memory_space<semaphore_mem>>
      %dma_start3A_69 = arith.constant 0 : i32
      %dma_start3A_70 = arith.constant 0 : i32
      %dma_start3A_71 = tpu.memref_slice %arg12[%dma_start3A_69, %dma_start3A_70] : memref<10240x128xf32, #tpu.memory_space<vmem_shared>> -> memref<10240x128xf32, #tpu.memory_space<vmem_shared>>
      tpu.enqueue_indirect_dma source(%arg11 : memref<128x128xf32, #tpu.memory_space<vmem>>) target(%dma_start3A_71 : memref<10240x128xf32, #tpu.memory_space<vmem_shared>>) offsets(%arg9 : memref<128xi32, #tpu.memory_space<vmem>>) semaphore(%run_scoped3A : memref<!tpu.dma_semaphore, #tpu.memory_space<semaphore_mem>>) {add = true}
      %dma_wait3A_72 = arith.constant 0 : i32
      %dma_wait3A_73 = arith.constant 0 : i32
      %dma_wait3A_74 = tpu.memref_slice %arg12[%dma_wait3A_72, %dma_wait3A_73] : memref<10240x128xf32, #tpu.memory_space<vmem_shared>> -> memref<10240x128xf32, #tpu.memory_space<vmem_shared>>
      tpu.wait_indirect_dma semaphore(%run_scoped3A : memref<!tpu.dma_semaphore, #tpu.memory_space<semaphore_mem>>) src(%arg11 : memref<128x128xf32, #tpu.memory_space<vmem>>) dst(%dma_wait3A_74 : memref<10240x128xf32, #tpu.memory_space<vmem_shared>>)
      tpu.yield
    }) : () -> ()
    %barrier3A_61 = arith.constant 0 : index
    tpu.barrier barrier_id(%barrier3A_61)
    %mul3A_62 = arith.constant 640 : i32
    %mul3A_63 = arith.muli %arg1, %mul3A_62 : i32
    %mul3A_64 = arith.constant 10240 : i32
    %mul3A_65 = arith.muli %arg0, %mul3A_64 : i32
    %mul3A_66 = arith.constant 640 : i32
    %mul3A_67 = arith.muli %arg1, %mul3A_66 : i32
    %add3A_68 = arith.addi %mul3A_65, %mul3A_67 : i32
    "tpu.region"() ({
      %run_scoped3A = tpu.sem_alloc : memref<!tpu.dma_semaphore, #tpu.memory_space<semaphore_mem>>
      %dma_start3A_69 = arith.constant 0 : i32
      %dma_start3A_70 = tpu.memref_slice %arg5[%add3A_68, %dma_start3A_69] : memref<20480x128xf32, #tpu.memory_space<hbm>> -> memref<640x128xf32, #tpu.memory_space<hbm>>
      %dma_start3A_71 = arith.constant 0 : i32
      %dma_start3A_72 = tpu.memref_slice %arg12[%mul3A_63, %dma_start3A_71] : memref<10240x128xf32, #tpu.memory_space<vmem_shared>> -> memref<640x128xf32, #tpu.memory_space<vmem_shared>>
      tpu.enqueue_dma source(%dma_start3A_72 : memref<640x128xf32, #tpu.memory_space<vmem_shared>>) target(%dma_start3A_70 : memref<640x128xf32, #tpu.memory_space<hbm>>) target_semaphore(%run_scoped3A : memref<!tpu.dma_semaphore, #tpu.memory_space<semaphore_mem>>)
      %dma_wait3A_73 = arith.constant 0 : i32
      %dma_wait3A_74 = tpu.memref_slice %arg5[%add3A_68, %dma_wait3A_73] : memref<20480x128xf32, #tpu.memory_space<hbm>> -> memref<640x128xf32, #tpu.memory_space<hbm>>
      %dma_wait3A_75 = arith.constant 0 : i32
      %dma_wait3A_76 = tpu.memref_slice %arg12[%mul3A_63, %dma_wait3A_75] : memref<10240x128xf32, #tpu.memory_space<vmem_shared>> -> memref<640x128xf32, #tpu.memory_space<vmem_shared>>
      tpu.wait_dma2 semaphore(%run_scoped3A : memref<!tpu.dma_semaphore, #tpu.memory_space<semaphore_mem>>) src(%dma_wait3A_76 : memref<640x128xf32, #tpu.memory_space<vmem_shared>>) dst(%dma_wait3A_74 : memref<640x128xf32, #tpu.memory_space<hbm>>)
      tpu.yield
    }) : () -> ()
    return
  }
}

#map = affine_map<(d0, d1) -> (0, 0)>
#map1 = affine_map<(d0, d1) -> (0)>
module attributes {stable_mosaic.version = 14 : i64} {
  func.func @k(%arg0: i32, %arg1: i32, %arg2: memref<10000x128xf32, #tpu.memory_space<hbm>>, %arg3: memref<327680xi32, #tpu.memory_space<hbm>>, %arg4: memref<327680xi32, #tpu.memory_space<hbm>>, %arg5: memref<20480x128xf32, #tpu.memory_space<hbm>>, %arg6: memref<128xi32, #tpu.memory_space<vmem>>, %arg7: memref<128xi32, #tpu.memory_space<vmem>>, %arg8: memref<128xi32, #tpu.memory_space<vmem>>, %arg9: memref<128xi32, #tpu.memory_space<vmem>>, %arg10: memref<128x128xf32, #tpu.memory_space<vmem>>, %arg11: memref<128x128xf32, #tpu.memory_space<vmem>>, %arg12: memref<10240x128xf32, #tpu.memory_space<vmem_shared>>, %arg13: memref<!tpu.dma_semaphore, #tpu.memory_space<semaphore_mem>>, %arg14: memref<!tpu.dma_semaphore, #tpu.memory_space<semaphore_mem>>, %arg15: memref<!tpu.dma_semaphore, #tpu.memory_space<semaphore_mem>>, %arg16: memref<!tpu.dma_semaphore, #tpu.memory_space<semaphore_mem>>) attributes {dimension_semantics = [#tpu.dimension_semantics<core_parallel>, #tpu.dimension_semantics<subcore_parallel>], iteration_bounds = array<i64: 2, 16>, scalar_prefetch = 0 : i64, scratch_operands = 11 : i64, tpu.core_type = #tpu.core_type<sc_vector_subcore>, window_params = [{transform_indices = #map}, {transform_indices = #map1}, {transform_indices = #map1}, {transform_indices = #map}]} {
    %mul3A = arith.constant 2 : i32
    %mul3A_0 = arith.muli %arg1, %mul3A : i32
    %add3A = arith.addi %mul3A_0, %arg0 : i32
    %mul3A_1 = arith.constant 80 : i32
    %mul3A_2 = arith.muli %add3A, %mul3A_1 : i32
    %mul3A_3 = arith.constant 128 : i32
    %mul3A_4 = arith.muli %mul3A_2, %mul3A_3 : i32
    %add3A_5 = arith.constant 0 : i32
    %add3A_6 = arith.addi %mul3A_4, %add3A_5 : i32
    %dma_start3A = tpu.memref_slice %arg3[%add3A_6] : memref<327680xi32, #tpu.memory_space<hbm>> -> memref<128xi32, #tpu.memory_space<hbm>>
    %dma_start3A_7 = tpu.memref_slice %arg3[%add3A_6] : memref<327680xi32, #tpu.memory_space<hbm>> -> memref<128xi32, #tpu.memory_space<hbm>>
    tpu.enqueue_dma source(%dma_start3A_7 : memref<128xi32, #tpu.memory_space<hbm>>) target(%arg6 : memref<128xi32, #tpu.memory_space<vmem>>) target_semaphore(%arg13 : memref<!tpu.dma_semaphore, #tpu.memory_space<semaphore_mem>>)
    %add3A_8 = arith.constant 0 : i32
    %add3A_9 = arith.addi %mul3A_4, %add3A_8 : i32
    %dma_start3A_10 = tpu.memref_slice %arg4[%add3A_9] : memref<327680xi32, #tpu.memory_space<hbm>> -> memref<128xi32, #tpu.memory_space<hbm>>
    %dma_start3A_11 = tpu.memref_slice %arg4[%add3A_9] : memref<327680xi32, #tpu.memory_space<hbm>> -> memref<128xi32, #tpu.memory_space<hbm>>
    tpu.enqueue_dma source(%dma_start3A_11 : memref<128xi32, #tpu.memory_space<hbm>>) target(%arg7 : memref<128xi32, #tpu.memory_space<vmem>>) target_semaphore(%arg13 : memref<!tpu.dma_semaphore, #tpu.memory_space<semaphore_mem>>)
    %add3A_12 = arith.constant 128 : i32
    %add3A_13 = arith.addi %mul3A_4, %add3A_12 : i32
    %dma_start3A_14 = tpu.memref_slice %arg3[%add3A_13] : memref<327680xi32, #tpu.memory_space<hbm>> -> memref<128xi32, #tpu.memory_space<hbm>>
    %dma_start3A_15 = tpu.memref_slice %arg3[%add3A_13] : memref<327680xi32, #tpu.memory_space<hbm>> -> memref<128xi32, #tpu.memory_space<hbm>>
    tpu.enqueue_dma source(%dma_start3A_15 : memref<128xi32, #tpu.memory_space<hbm>>) target(%arg8 : memref<128xi32, #tpu.memory_space<vmem>>) target_semaphore(%arg14 : memref<!tpu.dma_semaphore, #tpu.memory_space<semaphore_mem>>)
    %add3A_16 = arith.constant 128 : i32
    %add3A_17 = arith.addi %mul3A_4, %add3A_16 : i32
    %dma_start3A_18 = tpu.memref_slice %arg4[%add3A_17] : memref<327680xi32, #tpu.memory_space<hbm>> -> memref<128xi32, #tpu.memory_space<hbm>>
    %dma_start3A_19 = tpu.memref_slice %arg4[%add3A_17] : memref<327680xi32, #tpu.memory_space<hbm>> -> memref<128xi32, #tpu.memory_space<hbm>>
    tpu.enqueue_dma source(%dma_start3A_19 : memref<128xi32, #tpu.memory_space<hbm>>) target(%arg9 : memref<128xi32, #tpu.memory_space<vmem>>) target_semaphore(%arg14 : memref<!tpu.dma_semaphore, #tpu.memory_space<semaphore_mem>>)
    %scan3A = arith.constant 0 : i32
    %scan3A_20 = arith.constant 128 : i32
    %scan3A_21 = arith.addi %scan3A, %scan3A_20 : i32
    %scan3A_22 = arith.constant 1 : i32
    scf.for %scan3A_69 = %scan3A to %scan3A_21 step %scan3A_22  : i32 {
      %mul3A_70 = arith.constant 1 : i32
      %mul3A_71 = arith.muli %scan3A_69, %mul3A_70 : i32
      %add3A_72 = arith.constant 0 : i32
      %add3A_73 = arith.addi %add3A_72, %mul3A_71 : i32
      %scan3A_74 = arith.constant 0 : i32
      %scan3A_75 = arith.constant 8 : i32
      %scan3A_76 = arith.addi %scan3A_74, %scan3A_75 : i32
      %scan3A_77 = arith.constant 1 : i32
      scf.for %scan3A_79 = %scan3A_74 to %scan3A_76 step %scan3A_77  : i32 {
        %mul3A_80 = arith.constant 16 : i32
        %mul3A_81 = arith.muli %scan3A_79, %mul3A_80 : i32
        %add3A_82 = arith.constant 0 : i32
        %add3A_83 = arith.addi %add3A_82, %mul3A_81 : i32
        %broadcast_in_dim3A = arith.constant 0.000000e+00 : f32
        %broadcast_in_dim3A_84 = vector.broadcast %broadcast_in_dim3A : f32 to vector<16xf32>
        %swap3A = arith.index_cast %add3A_73 : i32 to index
        %swap3A_85 = arith.index_cast %add3A_83 : i32 to index
        %swap3A_86 = tpu.vector_load %arg11[%swap3A, %swap3A_85] {strides = array<i32>} : memref<128x128xf32, #tpu.memory_space<vmem>>, vector<1x16xf32>,
        %swap3A_87 = vector.shape_cast %swap3A_86 : vector<1x16xf32> to vector<16xf32>
        %swap3A_88 = vector.shape_cast %broadcast_in_dim3A_84 : vector<16xf32> to vector<1x16xf32>
        tpu.vector_store %arg11[%swap3A, %swap3A_85], %swap3A_88 {strides = array<i32>} : memref<128x128xf32, #tpu.memory_space<vmem>>, vector<1x16xf32>,
      }
      %scan3A_78 = arith.constant 8 : i32
    }
    %scan3A_23 = arith.constant 128 : i32
    %scan3A_24 = arith.constant 0 : i32
    %scan3A_25 = arith.constant 5 : i32
    %scan3A_26 = arith.addi %scan3A_24, %scan3A_25 : i32
    %scan3A_27 = arith.constant 1 : i32
    scf.for %scan3A_69 = %scan3A_24 to %scan3A_26 step %scan3A_27  : i32 {
      %mul3A_70 = arith.constant 128 : i32
      %mul3A_71 = arith.muli %scan3A_69, %mul3A_70 : i32
      %add3A_72 = arith.constant 0 : i32
      %add3A_73 = arith.addi %add3A_72, %mul3A_71 : i32
      %mul3A_74 = arith.constant 640 : i32
      %mul3A_75 = arith.muli %arg1, %mul3A_74 : i32
      %add3A_76 = arith.addi %mul3A_75, %add3A_73 : i32
      "tpu.region"() ({
        %run_scoped3A = tpu.sem_alloc : memref<!tpu.dma_semaphore, #tpu.memory_space<semaphore_mem>>
        %dma_start3A_77 = arith.constant 0 : i32
        %dma_start3A_78 = tpu.memref_slice %arg12[%add3A_76, %dma_start3A_77] : memref<10240x128xf32, #tpu.memory_space<vmem_shared>> -> memref<128x128xf32, #tpu.memory_space<vmem_shared>>
        %dma_start3A_79 = arith.constant 0 : i32
        %dma_start3A_80 = tpu.memref_slice %arg12[%add3A_76, %dma_start3A_79] : memref<10240x128xf32, #tpu.memory_space<vmem_shared>> -> memref<128x128xf32, #tpu.memory_space<vmem_shared>>
        tpu.enqueue_dma source(%arg11 : memref<128x128xf32, #tpu.memory_space<vmem>>) target(%dma_start3A_80 : memref<128x128xf32, #tpu.memory_space<vmem_shared>>) target_semaphore(%run_scoped3A : memref<!tpu.dma_semaphore, #tpu.memory_space<semaphore_mem>>)
        %dma_wait3A_81 = arith.constant 0 : i32
        %dma_wait3A_82 = tpu.memref_slice %arg12[%add3A_76, %dma_wait3A_81] : memref<10240x128xf32, #tpu.memory_space<vmem_shared>> -> memref<128x128xf32, #tpu.memory_space<vmem_shared>>
        %dma_wait3A_83 = arith.constant 0 : i32
        %dma_wait3A_84 = tpu.memref_slice %arg12[%add3A_76, %dma_wait3A_83] : memref<10240x128xf32, #tpu.memory_space<vmem_shared>> -> memref<128x128xf32, #tpu.memory_space<vmem_shared>>
        tpu.wait_dma2 semaphore(%run_scoped3A : memref<!tpu.dma_semaphore, #tpu.memory_space<semaphore_mem>>) src(%arg11 : memref<128x128xf32, #tpu.memory_space<vmem>>) dst(%dma_wait3A_84 : memref<128x128xf32, #tpu.memory_space<vmem_shared>>)
        tpu.yield
      }) : () -> ()
    }
    %scan3A_28 = arith.constant 5 : i32
    %dma_wait3A = arith.constant 0 : i32
    %dma_wait3A_29 = tpu.memref_slice %arg3[%dma_wait3A] : memref<327680xi32, #tpu.memory_space<hbm>> -> memref<128xi32, #tpu.memory_space<hbm>>
    %dma_wait3A_30 = arith.constant 0 : i32
    %dma_wait3A_31 = tpu.memref_slice %arg3[%dma_wait3A_30] : memref<327680xi32, #tpu.memory_space<hbm>> -> memref<128xi32, #tpu.memory_space<hbm>>
    tpu.wait_dma2 semaphore(%arg13 : memref<!tpu.dma_semaphore, #tpu.memory_space<semaphore_mem>>) src(%dma_wait3A_31 : memref<128xi32, #tpu.memory_space<hbm>>) dst(%arg6 : memref<128xi32, #tpu.memory_space<vmem>>)
    %dma_wait3A_32 = arith.constant 0 : i32
    %dma_wait3A_33 = tpu.memref_slice %arg4[%dma_wait3A_32] : memref<327680xi32, #tpu.memory_space<hbm>> -> memref<128xi32, #tpu.memory_space<hbm>>
    %dma_wait3A_34 = arith.constant 0 : i32
    %dma_wait3A_35 = tpu.memref_slice %arg4[%dma_wait3A_34] : memref<327680xi32, #tpu.memory_space<hbm>> -> memref<128xi32, #tpu.memory_space<hbm>>
    tpu.wait_dma2 semaphore(%arg13 : memref<!tpu.dma_semaphore, #tpu.memory_space<semaphore_mem>>) src(%dma_wait3A_35 : memref<128xi32, #tpu.memory_space<hbm>>) dst(%arg7 : memref<128xi32, #tpu.memory_space<vmem>>)
    %barrier3A = arith.constant 0 : index
    tpu.barrier barrier_id(%barrier3A)
    %dma_start3A_36 = arith.constant 0 : i32
    %dma_start3A_37 = arith.constant 0 : i32
    %dma_start3A_38 = tpu.memref_slice %arg2[%dma_start3A_36, %dma_start3A_37] : memref<10000x128xf32, #tpu.memory_space<hbm>> -> memref<10000x128xf32, #tpu.memory_space<hbm>>
    tpu.enqueue_indirect_dma source(%dma_start3A_38 : memref<10000x128xf32, #tpu.memory_space<hbm>>) target(%arg10 : memref<128x128xf32, #tpu.memory_space<vmem>>) offsets(%arg6 : memref<128xi32, #tpu.memory_space<vmem>>) semaphore(%arg15 : memref<!tpu.dma_semaphore, #tpu.memory_space<semaphore_mem>>)
    %scan3A_39 = arith.constant 0 : i32
    %scan3A_40 = arith.constant 39 : i32
    %scan3A_41 = arith.addi %scan3A_39, %scan3A_40 : i32
    %scan3A_42 = arith.constant 1 : i32
    scf.for %scan3A_69 = %scan3A_39 to %scan3A_41 step %scan3A_42  : i32 {
      %mul3A_70 = arith.constant 2 : i32
      %mul3A_71 = arith.muli %scan3A_69, %mul3A_70 : i32
      %add3A_72 = arith.constant 0 : i32
      %add3A_73 = arith.addi %add3A_72, %mul3A_71 : i32
      %dma_wait3A_74 = arith.constant 0 : i32
      %dma_wait3A_75 = tpu.memref_slice %arg3[%dma_wait3A_74] : memref<327680xi32, #tpu.memory_space<hbm>> -> memref<128xi32, #tpu.memory_space<hbm>>
      %dma_wait3A_76 = arith.constant 0 : i32
      %dma_wait3A_77 = tpu.memref_slice %arg3[%dma_wait3A_76] : memref<327680xi32, #tpu.memory_space<hbm>> -> memref<128xi32, #tpu.memory_space<hbm>>
      tpu.wait_dma2 semaphore(%arg14 : memref<!tpu.dma_semaphore, #tpu.memory_space<semaphore_mem>>) src(%dma_wait3A_77 : memref<128xi32, #tpu.memory_space<hbm>>) dst(%arg8 : memref<128xi32, #tpu.memory_space<vmem>>)
      %dma_wait3A_78 = arith.constant 0 : i32
      %dma_wait3A_79 = tpu.memref_slice %arg4[%dma_wait3A_78] : memref<327680xi32, #tpu.memory_space<hbm>> -> memref<128xi32, #tpu.memory_space<hbm>>
      %dma_wait3A_80 = arith.constant 0 : i32
      %dma_wait3A_81 = tpu.memref_slice %arg4[%dma_wait3A_80] : memref<327680xi32, #tpu.memory_space<hbm>> -> memref<128xi32, #tpu.memory_space<hbm>>
      tpu.wait_dma2 semaphore(%arg14 : memref<!tpu.dma_semaphore, #tpu.memory_space<semaphore_mem>>) src(%dma_wait3A_81 : memref<128xi32, #tpu.memory_space<hbm>>) dst(%arg9 : memref<128xi32, #tpu.memory_space<vmem>>)
      %dma_wait3A_82 = arith.constant 0 : i32
      %dma_wait3A_83 = arith.constant 0 : i32
      %dma_wait3A_84 = tpu.memref_slice %arg2[%dma_wait3A_82, %dma_wait3A_83] : memref<10000x128xf32, #tpu.memory_space<hbm>> -> memref<10000x128xf32, #tpu.memory_space<hbm>>
      tpu.wait_indirect_dma semaphore(%arg15 : memref<!tpu.dma_semaphore, #tpu.memory_space<semaphore_mem>>) src(%dma_wait3A_84 : memref<10000x128xf32, #tpu.memory_space<hbm>>) dst(%arg10 : memref<128x128xf32, #tpu.memory_space<vmem>>)
      %dma_start3A_85 = arith.constant 0 : i32
      %dma_start3A_86 = arith.constant 0 : i32
      %dma_start3A_87 = tpu.memref_slice %arg2[%dma_start3A_85, %dma_start3A_86] : memref<10000x128xf32, #tpu.memory_space<hbm>> -> memref<10000x128xf32, #tpu.memory_space<hbm>>
      tpu.enqueue_indirect_dma source(%dma_start3A_87 : memref<10000x128xf32, #tpu.memory_space<hbm>>) target(%arg11 : memref<128x128xf32, #tpu.memory_space<vmem>>) offsets(%arg8 : memref<128xi32, #tpu.memory_space<vmem>>) semaphore(%arg16 : memref<!tpu.dma_semaphore, #tpu.memory_space<semaphore_mem>>)
      "tpu.region"() ({
        %run_scoped3A = tpu.sem_alloc : memref<!tpu.dma_semaphore, #tpu.memory_space<semaphore_mem>>
        %dma_start3A_126 = arith.constant 0 : i32
        %dma_start3A_127 = arith.constant 0 : i32
        %dma_start3A_128 = tpu.memref_slice %arg12[%dma_start3A_126, %dma_start3A_127] : memref<10240x128xf32, #tpu.memory_space<vmem_shared>> -> memref<10240x128xf32, #tpu.memory_space<vmem_shared>>
        tpu.enqueue_indirect_dma source(%arg10 : memref<128x128xf32, #tpu.memory_space<vmem>>) target(%dma_start3A_128 : memref<10240x128xf32, #tpu.memory_space<vmem_shared>>) offsets(%arg7 : memref<128xi32, #tpu.memory_space<vmem>>) semaphore(%run_scoped3A : memref<!tpu.dma_semaphore, #tpu.memory_space<semaphore_mem>>) {add = true}
        %dma_wait3A_129 = arith.constant 0 : i32
        %dma_wait3A_130 = arith.constant 0 : i32
        %dma_wait3A_131 = tpu.memref_slice %arg12[%dma_wait3A_129, %dma_wait3A_130] : memref<10240x128xf32, #tpu.memory_space<vmem_shared>> -> memref<10240x128xf32, #tpu.memory_space<vmem_shared>>
        tpu.wait_indirect_dma semaphore(%run_scoped3A : memref<!tpu.dma_semaphore, #tpu.memory_space<semaphore_mem>>) src(%arg10 : memref<128x128xf32, #tpu.memory_space<vmem>>) dst(%dma_wait3A_131 : memref<10240x128xf32, #tpu.memory_space<vmem_shared>>)
        tpu.yield
      }) : () -> ()
      %add3A_88 = arith.constant 2 : i32
      %add3A_89 = arith.addi %add3A_73, %add3A_88 : i32
      %mul3A_90 = arith.constant 128 : i32
      %mul3A_91 = arith.muli %add3A_89, %mul3A_90 : i32
      %add3A_92 = arith.addi %mul3A_4, %mul3A_91 : i32
      %dma_start3A_93 = tpu.memref_slice %arg3[%add3A_92] : memref<327680xi32, #tpu.memory_space<hbm>> -> memref<128xi32, #tpu.memory_space<hbm>>
      %dma_start3A_94 = tpu.memref_slice %arg3[%add3A_92] : memref<327680xi32, #tpu.memory_space<hbm>> -> memref<128xi32, #tpu.memory_space<hbm>>
      tpu.enqueue_dma source(%dma_start3A_94 : memref<128xi32, #tpu.memory_space<hbm>>) target(%arg6 : memref<128xi32, #tpu.memory_space<vmem>>) target_semaphore(%arg13 : memref<!tpu.dma_semaphore, #tpu.memory_space<semaphore_mem>>)
      %mul3A_95 = arith.constant 128 : i32
      %mul3A_96 = arith.muli %add3A_89, %mul3A_95 : i32
      %add3A_97 = arith.addi %mul3A_4, %mul3A_96 : i32
      %dma_start3A_98 = tpu.memref_slice %arg4[%add3A_97] : memref<327680xi32, #tpu.memory_space<hbm>> -> memref<128xi32, #tpu.memory_space<hbm>>
      %dma_start3A_99 = tpu.memref_slice %arg4[%add3A_97] : memref<327680xi32, #tpu.memory_space<hbm>> -> memref<128xi32, #tpu.memory_space<hbm>>
      tpu.enqueue_dma source(%dma_start3A_99 : memref<128xi32, #tpu.memory_space<hbm>>) target(%arg7 : memref<128xi32, #tpu.memory_space<vmem>>) target_semaphore(%arg13 : memref<!tpu.dma_semaphore, #tpu.memory_space<semaphore_mem>>)
      %dma_wait3A_100 = arith.constant 0 : i32
      %dma_wait3A_101 = arith.constant 0 : i32
      %dma_wait3A_102 = tpu.memref_slice %arg2[%dma_wait3A_100, %dma_wait3A_101] : memref<10000x128xf32, #tpu.memory_space<hbm>> -> memref<10000x128xf32, #tpu.memory_space<hbm>>
      tpu.wait_indirect_dma semaphore(%arg16 : memref<!tpu.dma_semaphore, #tpu.memory_space<semaphore_mem>>) src(%dma_wait3A_102 : memref<10000x128xf32, #tpu.memory_space<hbm>>) dst(%arg11 : memref<128x128xf32, #tpu.memory_space<vmem>>)
      %dma_wait3A_103 = arith.constant 0 : i32
      %dma_wait3A_104 = tpu.memref_slice %arg3[%dma_wait3A_103] : memref<327680xi32, #tpu.memory_space<hbm>> -> memref<128xi32, #tpu.memory_space<hbm>>
      %dma_wait3A_105 = arith.constant 0 : i32
      %dma_wait3A_106 = tpu.memref_slice %arg3[%dma_wait3A_105] : memref<327680xi32, #tpu.memory_space<hbm>> -> memref<128xi32, #tpu.memory_space<hbm>>
      tpu.wait_dma2 semaphore(%arg13 : memref<!tpu.dma_semaphore, #tpu.memory_space<semaphore_mem>>) src(%dma_wait3A_106 : memref<128xi32, #tpu.memory_space<hbm>>) dst(%arg6 : memref<128xi32, #tpu.memory_space<vmem>>)
      %dma_wait3A_107 = arith.constant 0 : i32
      %dma_wait3A_108 = tpu.memref_slice %arg4[%dma_wait3A_107] : memref<327680xi32, #tpu.memory_space<hbm>> -> memref<128xi32, #tpu.memory_space<hbm>>
      %dma_wait3A_109 = arith.constant 0 : i32
      %dma_wait3A_110 = tpu.memref_slice %arg4[%dma_wait3A_109] : memref<327680xi32, #tpu.memory_space<hbm>> -> memref<128xi32, #tpu.memory_space<hbm>>
      tpu.wait_dma2 semaphore(%arg13 : memref<!tpu.dma_semaphore, #tpu.memory_space<semaphore_mem>>) src(%dma_wait3A_110 : memref<128xi32, #tpu.memory_space<hbm>>) dst(%arg7 : memref<128xi32, #tpu.memory_space<vmem>>)
      %dma_start3A_111 = arith.constant 0 : i32
      %dma_start3A_112 = arith.constant 0 : i32
      %dma_start3A_113 = tpu.memref_slice %arg2[%dma_start3A_111, %dma_start3A_112] : memref<10000x128xf32, #tpu.memory_space<hbm>> -> memref<10000x128xf32, #tpu.memory_space<hbm>>
      tpu.enqueue_indirect_dma source(%dma_start3A_113 : memref<10000x128xf32, #tpu.memory_space<hbm>>) target(%arg10 : memref<128x128xf32, #tpu.memory_space<vmem>>) offsets(%arg6 : memref<128xi32, #tpu.memory_space<vmem>>) semaphore(%arg15 : memref<!tpu.dma_semaphore, #tpu.memory_space<semaphore_mem>>)
      "tpu.region"() ({
        %run_scoped3A = tpu.sem_alloc : memref<!tpu.dma_semaphore, #tpu.memory_space<semaphore_mem>>
        %dma_start3A_126 = arith.constant 0 : i32
        %dma_start3A_127 = arith.constant 0 : i32
        %dma_start3A_128 = tpu.memref_slice %arg12[%dma_start3A_126, %dma_start3A_127] : memref<10240x128xf32, #tpu.memory_space<vmem_shared>> -> memref<10240x128xf32, #tpu.memory_space<vmem_shared>>
        tpu.enqueue_indirect_dma source(%arg11 : memref<128x128xf32, #tpu.memory_space<vmem>>) target(%dma_start3A_128 : memref<10240x128xf32, #tpu.memory_space<vmem_shared>>) offsets(%arg9 : memref<128xi32, #tpu.memory_space<vmem>>) semaphore(%run_scoped3A : memref<!tpu.dma_semaphore, #tpu.memory_space<semaphore_mem>>) {add = true}
        %dma_wait3A_129 = arith.constant 0 : i32
        %dma_wait3A_130 = arith.constant 0 : i32
        %dma_wait3A_131 = tpu.memref_slice %arg12[%dma_wait3A_129, %dma_wait3A_130] : memref<10240x128xf32, #tpu.memory_space<vmem_shared>> -> memref<10240x128xf32, #tpu.memory_space<vmem_shared>>
        tpu.wait_indirect_dma semaphore(%run_scoped3A : memref<!tpu.dma_semaphore, #tpu.memory_space<semaphore_mem>>) src(%arg11 : memref<128x128xf32, #tpu.memory_space<vmem>>) dst(%dma_wait3A_131 : memref<10240x128xf32, #tpu.memory_space<vmem_shared>>)
        tpu.yield
      }) : () -> ()
      %add3A_114 = arith.constant 3 : i32
      %add3A_115 = arith.addi %add3A_73, %add3A_114 : i32
      %mul3A_116 = arith.constant 128 : i32
      %mul3A_117 = arith.muli %add3A_115, %mul3A_116 : i32
      %add3A_118 = arith.addi %mul3A_4, %mul3A_117 : i32
      %dma_start3A_119 = tpu.memref_slice %arg3[%add3A_118] : memref<327680xi32, #tpu.memory_space<hbm>> -> memref<128xi32, #tpu.memory_space<hbm>>
      %dma_start3A_120 = tpu.memref_slice %arg3[%add3A_118] : memref<327680xi32, #tpu.memory_space<hbm>> -> memref<128xi32, #tpu.memory_space<hbm>>
      tpu.enqueue_dma source(%dma_start3A_120 : memref<128xi32, #tpu.memory_space<hbm>>) target(%arg8 : memref<128xi32, #tpu.memory_space<vmem>>) target_semaphore(%arg14 : memref<!tpu.dma_semaphore, #tpu.memory_space<semaphore_mem>>)
      %mul3A_121 = arith.constant 128 : i32
      %mul3A_122 = arith.muli %add3A_115, %mul3A_121 : i32
      %add3A_123 = arith.addi %mul3A_4, %mul3A_122 : i32
      %dma_start3A_124 = tpu.memref_slice %arg4[%add3A_123] : memref<327680xi32, #tpu.memory_space<hbm>> -> memref<128xi32, #tpu.memory_space<hbm>>
      %dma_start3A_125 = tpu.memref_slice %arg4[%add3A_123] : memref<327680xi32, #tpu.memory_space<hbm>> -> memref<128xi32, #tpu.memory_space<hbm>>
      tpu.enqueue_dma source(%dma_start3A_125 : memref<128xi32, #tpu.memory_space<hbm>>) target(%arg9 : memref<128xi32, #tpu.memory_space<vmem>>) target_semaphore(%arg14 : memref<!tpu.dma_semaphore, #tpu.memory_space<semaphore_mem>>)
    }
    %scan3A_43 = arith.constant 39 : i32
    %dma_wait3A_44 = arith.constant 0 : i32
    %dma_wait3A_45 = tpu.memref_slice %arg3[%dma_wait3A_44] : memref<327680xi32, #tpu.memory_space<hbm>> -> memref<128xi32, #tpu.memory_space<hbm>>
    %dma_wait3A_46 = arith.constant 0 : i32
    %dma_wait3A_47 = tpu.memref_slice %arg3[%dma_wait3A_46] : memref<327680xi32, #tpu.memory_space<hbm>> -> memref<128xi32, #tpu.memory_space<hbm>>
    tpu.wait_dma2 semaphore(%arg14 : memref<!tpu.dma_semaphore, #tpu.memory_space<semaphore_mem>>) src(%dma_wait3A_47 : memref<128xi32, #tpu.memory_space<hbm>>) dst(%arg8 : memref<128xi32, #tpu.memory_space<vmem>>)
    %dma_wait3A_48 = arith.constant 0 : i32
    %dma_wait3A_49 = tpu.memref_slice %arg4[%dma_wait3A_48] : memref<327680xi32, #tpu.memory_space<hbm>> -> memref<128xi32, #tpu.memory_space<hbm>>
    %dma_wait3A_50 = arith.constant 0 : i32
    %dma_wait3A_51 = tpu.memref_slice %arg4[%dma_wait3A_50] : memref<327680xi32, #tpu.memory_space<hbm>> -> memref<128xi32, #tpu.memory_space<hbm>>
    tpu.wait_dma2 semaphore(%arg14 : memref<!tpu.dma_semaphore, #tpu.memory_space<semaphore_mem>>) src(%dma_wait3A_51 : memref<128xi32, #tpu.memory_space<hbm>>) dst(%arg9 : memref<128xi32, #tpu.memory_space<vmem>>)
    %dma_wait3A_52 = arith.constant 0 : i32
    %dma_wait3A_53 = arith.constant 0 : i32
    %dma_wait3A_54 = tpu.memref_slice %arg2[%dma_wait3A_52, %dma_wait3A_53] : memref<10000x128xf32, #tpu.memory_space<hbm>> -> memref<10000x128xf32, #tpu.memory_space<hbm>>
    tpu.wait_indirect_dma semaphore(%arg15 : memref<!tpu.dma_semaphore, #tpu.memory_space<semaphore_mem>>) src(%dma_wait3A_54 : memref<10000x128xf32, #tpu.memory_space<hbm>>) dst(%arg10 : memref<128x128xf32, #tpu.memory_space<vmem>>)
    %dma_start3A_55 = arith.constant 0 : i32
    %dma_start3A_56 = arith.constant 0 : i32
    %dma_start3A_57 = tpu.memref_slice %arg2[%dma_start3A_55, %dma_start3A_56] : memref<10000x128xf32, #tpu.memory_space<hbm>> -> memref<10000x128xf32, #tpu.memory_space<hbm>>
    tpu.enqueue_indirect_dma source(%dma_start3A_57 : memref<10000x128xf32, #tpu.memory_space<hbm>>) target(%arg11 : memref<128x128xf32, #tpu.memory_space<vmem>>) offsets(%arg8 : memref<128xi32, #tpu.memory_space<vmem>>) semaphore(%arg16 : memref<!tpu.dma_semaphore, #tpu.memory_space<semaphore_mem>>)
    "tpu.region"() ({
      %run_scoped3A = tpu.sem_alloc : memref<!tpu.dma_semaphore, #tpu.memory_space<semaphore_mem>>
      %dma_start3A_69 = arith.constant 0 : i32
      %dma_start3A_70 = arith.constant 0 : i32
      %dma_start3A_71 = tpu.memref_slice %arg12[%dma_start3A_69, %dma_start3A_70] : memref<10240x128xf32, #tpu.memory_space<vmem_shared>> -> memref<10240x128xf32, #tpu.memory_space<vmem_shared>>
      tpu.enqueue_indirect_dma source(%arg10 : memref<128x128xf32, #tpu.memory_space<vmem>>) target(%dma_start3A_71 : memref<10240x128xf32, #tpu.memory_space<vmem_shared>>) offsets(%arg7 : memref<128xi32, #tpu.memory_space<vmem>>) semaphore(%run_scoped3A : memref<!tpu.dma_semaphore, #tpu.memory_space<semaphore_mem>>) {add = true}
      %dma_wait3A_72 = arith.constant 0 : i32
      %dma_wait3A_73 = arith.constant 0 : i32
      %dma_wait3A_74 = tpu.memref_slice %arg12[%dma_wait3A_72, %dma_wait3A_73] : memref<10240x128xf32, #tpu.memory_space<vmem_shared>> -> memref<10240x128xf32, #tpu.memory_space<vmem_shared>>
      tpu.wait_indirect_dma semaphore(%run_scoped3A : memref<!tpu.dma_semaphore, #tpu.memory_space<semaphore_mem>>) src(%arg10 : memref<128x128xf32, #tpu.memory_space<vmem>>) dst(%dma_wait3A_74 : memref<10240x128xf32, #tpu.memory_space<vmem_shared>>)
      tpu.yield
    }) : () -> ()
    %dma_wait3A_58 = arith.constant 0 : i32
    %dma_wait3A_59 = arith.constant 0 : i32
    %dma_wait3A_60 = tpu.memref_slice %arg2[%dma_wait3A_58, %dma_wait3A_59] : memref<10000x128xf32, #tpu.memory_space<hbm>> -> memref<10000x128xf32, #tpu.memory_space<hbm>>
    tpu.wait_indirect_dma semaphore(%arg16 : memref<!tpu.dma_semaphore, #tpu.memory_space<semaphore_mem>>) src(%dma_wait3A_60 : memref<10000x128xf32, #tpu.memory_space<hbm>>) dst(%arg11 : memref<128x128xf32, #tpu.memory_space<vmem>>)
    "tpu.region"() ({
      %run_scoped3A = tpu.sem_alloc : memref<!tpu.dma_semaphore, #tpu.memory_space<semaphore_mem>>
      %dma_start3A_69 = arith.constant 0 : i32
      %dma_start3A_70 = arith.constant 0 : i32
      %dma_start3A_71 = tpu.memref_slice %arg12[%dma_start3A_69, %dma_start3A_70] : memref<10240x128xf32, #tpu.memory_space<vmem_shared>> -> memref<10240x128xf32, #tpu.memory_space<vmem_shared>>
      tpu.enqueue_indirect_dma source(%arg11 : memref<128x128xf32, #tpu.memory_space<vmem>>) target(%dma_start3A_71 : memref<10240x128xf32, #tpu.memory_space<vmem_shared>>) offsets(%arg9 : memref<128xi32, #tpu.memory_space<vmem>>) semaphore(%run_scoped3A : memref<!tpu.dma_semaphore, #tpu.memory_space<semaphore_mem>>) {add = true}
      %dma_wait3A_72 = arith.constant 0 : i32
      %dma_wait3A_73 = arith.constant 0 : i32
      %dma_wait3A_74 = tpu.memref_slice %arg12[%dma_wait3A_72, %dma_wait3A_73] : memref<10240x128xf32, #tpu.memory_space<vmem_shared>> -> memref<10240x128xf32, #tpu.memory_space<vmem_shared>>
      tpu.wait_indirect_dma semaphore(%run_scoped3A : memref<!tpu.dma_semaphore, #tpu.memory_space<semaphore_mem>>) src(%arg11 : memref<128x128xf32, #tpu.memory_space<vmem>>) dst(%dma_wait3A_74 : memref<10240x128xf32, #tpu.memory_space<vmem_shared>>)
      tpu.yield
    }) : () -> ()
    %barrier3A_61 = arith.constant 0 : index
    tpu.barrier barrier_id(%barrier3A_61)
    %mul3A_62 = arith.constant 640 : i32
    %mul3A_63 = arith.muli %arg1, %mul3A_62 : i32
    %mul3A_64 = arith.constant 10240 : i32
    %mul3A_65 = arith.muli %arg0, %mul3A_64 : i32
    %mul3A_66 = arith.constant 640 : i32
    %mul3A_67 = arith.muli %arg1, %mul3A_66 : i32
    %add3A_68 = arith.addi %mul3A_65, %mul3A_67 : i32
    "tpu.region"() ({
      %run_scoped3A = tpu.sem_alloc : memref<!tpu.dma_semaphore, #tpu.memory_space<semaphore_mem>>
      %dma_start3A_69 = arith.constant 0 : i32
      %dma_start3A_70 = tpu.memref_slice %arg5[%add3A_68, %dma_start3A_69] : memref<20480x128xf32, #tpu.memory_space<hbm>> -> memref<640x128xf32, #tpu.memory_space<hbm>>
      %dma_start3A_71 = arith.constant 0 : i32
      %dma_start3A_72 = tpu.memref_slice %arg12[%mul3A_63, %dma_start3A_71] : memref<10240x128xf32, #tpu.memory_space<vmem_shared>> -> memref<640x128xf32, #tpu.memory_space<vmem_shared>>
      tpu.enqueue_dma source(%dma_start3A_72 : memref<640x128xf32, #tpu.memory_space<vmem_shared>>) target(%dma_start3A_70 : memref<640x128xf32, #tpu.memory_space<hbm>>) target_semaphore(%run_scoped3A : memref<!tpu.dma_semaphore, #tpu.memory_space<semaphore_mem>>)
      %dma_wait3A_73 = arith.constant 0 : i32
      %dma_wait3A_74 = tpu.memref_slice %arg5[%add3A_68, %dma_wait3A_73] : memref<20480x128xf32, #tpu.memory_space<hbm>> -> memref<640x128xf32, #tpu.memory_space<hbm>>
      %dma_wait3A_75 = arith.constant 0 : i32
      %dma_wait3A_76 = tpu.memref_slice %arg12[%mul3A_63, %dma_wait3A_75] : memref<10240x128xf32, #tpu.memory_space<vmem_shared>> -> memref<640x128xf32, #tpu.memory_space<vmem_shared>>
      tpu.wait_dma2 semaphore(%run_scoped3A : memref<!tpu.dma_semaphore, #tpu.memory_space<semaphore_mem>>) src(%dma_wait3A_76 : memref<640x128xf32, #tpu.memory_space<vmem_shared>>) dst(%dma_wait3A_74 : memref<640x128xf32, #tpu.memory_space<hbm>>)
      tpu.yield
    }) : () -> ()
    return
  }
}

module attributes {stable_mosaic.version = 14 : i64} {
  func.func @body(%arg0: memref<10000x128xf32, #tpu.memory_space<vmem>>, %arg1: memref<20480x128xf32, #tpu.memory_space<vmem>>, %arg2: memref<128x96xf32, #tpu.memory_space<vmem>>, %arg3: memref<1x96xf32, #tpu.memory_space<vmem>>, %arg4: memref<96x96xf32, #tpu.memory_space<vmem>>, %arg5: memref<1x96xf32, #tpu.memory_space<vmem>>, %arg6: memref<1x96xf32, #tpu.memory_space<vmem>>, %arg7: memref<1x96xf32, #tpu.memory_space<vmem>>, %arg8: memref<10000x128xf32, #tpu.memory_space<vmem>>) attributes {dimension_semantics = [], scalar_prefetch = 0 : i64, scratch_operands = 0 : i64, tpu.core_type = #tpu.core_type<tc>} {
    %get3A = arith.constant 0 : index
    %get3A_0 = arith.constant 0 : index
    %get3A_1 = vector.load %arg0[%get3A, %get3A_0] : memref<10000x128xf32, #tpu.memory_space<vmem>>, vector<10000x128xf32>
    %get3A_2 = arith.constant 0 : index
    %get3A_3 = arith.constant 0 : index
    %get3A_4 = vector.load %arg1[%get3A_2, %get3A_3] : memref<20480x128xf32, #tpu.memory_space<vmem>>, vector<10000x128xf32>
    %add3A = arith.addf %get3A_1, %get3A_4 : vector<10000x128xf32>
    %get3A_5 = arith.constant 10240 : index
    %get3A_6 = arith.constant 0 : index
    %get3A_7 = vector.load %arg1[%get3A_5, %get3A_6] : memref<20480x128xf32, #tpu.memory_space<vmem>>, vector<10000x128xf32>
    %add3A_8 = arith.addf %add3A, %get3A_7 : vector<10000x128xf32>
    %get3A_9 = arith.constant 0 : index
    %get3A_10 = arith.constant 0 : index
    %get3A_11 = vector.load %arg2[%get3A_9, %get3A_10] : memref<128x96xf32, #tpu.memory_space<vmem>>, vector<128x96xf32>
    %dot_general3A = arith.constant dense<0.000000e+00> : vector<10000x96xf32>
    %dot_general3A_12 = tpu.matmul %add3A_8, %get3A_11, %dot_general3A {dimension_numbers = #tpu.dot_dimension_numbers<[1], [0], [0], [1], [0, 0, 1, 1], [], []>, transpose_lhs_hint = false} : vector<10000x128xf32>, vector<128x96xf32>, vector<10000x96xf32> -> vector<10000x96xf32>
    %get3A_13 = arith.constant 0 : index
    %get3A_14 = arith.constant 0 : index
    %get3A_15 = vector.load %arg3[%get3A_13, %get3A_14] : memref<1x96xf32, #tpu.memory_space<vmem>>, vector<1x96xf32>
    %add3A_16 = vector.broadcast %get3A_15 : vector<1x96xf32> to vector<10000x96xf32>
    %add3A_17 = arith.addf %dot_general3A_12, %add3A_16 : vector<10000x96xf32>
    %min3A = arith.constant 2.000000e+01 : f32
    %min3A_18 = vector.broadcast %min3A : f32 to vector<10000x96xf32>
    %min3A_19 = arith.minimumf %add3A_17, %min3A_18 : vector<10000x96xf32>
    %exp3A = math.exp %min3A_19 : vector<10000x96xf32>
    %mul3A = arith.mulf %exp3A, %exp3A : vector<10000x96xf32>
    %mul3A_20 = arith.constant 2.000000e+00 : f32
    %mul3A_21 = vector.broadcast %mul3A_20 : f32 to vector<10000x96xf32>
    %mul3A_22 = arith.mulf %mul3A_21, %exp3A : vector<10000x96xf32>
    %add3A_23 = arith.addf %mul3A, %mul3A_22 : vector<10000x96xf32>
    %gt3A = arith.constant 2.000000e+01 : f32
    %gt3A_24 = vector.broadcast %gt3A : f32 to vector<10000x96xf32>
    %gt3A_25 = arith.cmpf ogt, %add3A_17, %gt3A_24 : vector<10000x96xf32>
    %add3A_26 = arith.constant 2.000000e+00 : f32
    %add3A_27 = vector.broadcast %add3A_26 : f32 to vector<10000x96xf32>
    %add3A_28 = arith.addf %add3A_23, %add3A_27 : vector<10000x96xf32>
    %div3A = arith.divf %add3A_23, %add3A_28 : vector<10000x96xf32>
    %jit3A = arith.constant 1.000000e+00 : f32
    %broadcast_in_dim3A = vector.broadcast %jit3A : f32 to vector<10000x96xf32>
    %select_n3A = arith.select %gt3A_25, %broadcast_in_dim3A, %div3A : vector<10000x96xi1>, vector<10000x96xf32>
    %mul3A_29 = arith.mulf %add3A_17, %select_n3A : vector<10000x96xf32>
    %get3A_30 = arith.constant 0 : index
    %get3A_31 = arith.constant 0 : index
    %get3A_32 = vector.load %arg4[%get3A_30, %get3A_31] : memref<96x96xf32, #tpu.memory_space<vmem>>, vector<96x96xf32>
    %dot_general3A_33 = arith.constant dense<0.000000e+00> : vector<10000x96xf32>
    %dot_general3A_34 = tpu.matmul %mul3A_29, %get3A_32, %dot_general3A_33 {dimension_numbers = #tpu.dot_dimension_numbers<[1], [0], [0], [1], [0, 0, 1, 1], [], []>, transpose_lhs_hint = false} : vector<10000x96xf32>, vector<96x96xf32>, vector<10000x96xf32> -> vector<10000x96xf32>
    %get3A_35 = arith.constant 0 : index
    %get3A_36 = arith.constant 0 : index
    %get3A_37 = vector.load %arg5[%get3A_35, %get3A_36] : memref<1x96xf32, #tpu.memory_space<vmem>>, vector<1x96xf32>
    %add3A_38 = vector.broadcast %get3A_37 : vector<1x96xf32> to vector<10000x96xf32>
    %add3A_39 = arith.addf %dot_general3A_34, %add3A_38 : vector<10000x96xf32>
    %min3A_40 = arith.constant 2.000000e+01 : f32
    %min3A_41 = vector.broadcast %min3A_40 : f32 to vector<10000x96xf32>
    %min3A_42 = arith.minimumf %add3A_39, %min3A_41 : vector<10000x96xf32>
    %exp3A_43 = math.exp %min3A_42 : vector<10000x96xf32>
    %mul3A_44 = arith.mulf %exp3A_43, %exp3A_43 : vector<10000x96xf32>
    %mul3A_45 = arith.constant 2.000000e+00 : f32
    %mul3A_46 = vector.broadcast %mul3A_45 : f32 to vector<10000x96xf32>
    %mul3A_47 = arith.mulf %mul3A_46, %exp3A_43 : vector<10000x96xf32>
    %add3A_48 = arith.addf %mul3A_44, %mul3A_47 : vector<10000x96xf32>
    %gt3A_49 = arith.constant 2.000000e+01 : f32
    %gt3A_50 = vector.broadcast %gt3A_49 : f32 to vector<10000x96xf32>
    %gt3A_51 = arith.cmpf ogt, %add3A_39, %gt3A_50 : vector<10000x96xf32>
    %add3A_52 = arith.constant 2.000000e+00 : f32
    %add3A_53 = vector.broadcast %add3A_52 : f32 to vector<10000x96xf32>
    %add3A_54 = arith.addf %add3A_48, %add3A_53 : vector<10000x96xf32>
    %div3A_55 = arith.divf %add3A_48, %add3A_54 : vector<10000x96xf32>
    %jit3A_56 = arith.constant 1.000000e+00 : f32
    %broadcast_in_dim3A_57 = vector.broadcast %jit3A_56 : f32 to vector<10000x96xf32>
    %select_n3A_58 = arith.select %gt3A_51, %broadcast_in_dim3A_57, %div3A_55 : vector<10000x96xi1>, vector<10000x96xf32>
    %mul3A_59 = arith.mulf %add3A_39, %select_n3A_58 : vector<10000x96xf32>
    %get3A_60 = arith.constant 0 : index
    %get3A_61 = arith.constant 0 : index
    %get3A_62 = vector.load %arg6[%get3A_60, %get3A_61] : memref<1x96xf32, #tpu.memory_space<vmem>>, vector<1x96xf32>
    %get3A_63 = arith.constant 0 : index
    %get3A_64 = arith.constant 0 : index
    %get3A_65 = vector.load %arg7[%get3A_63, %get3A_64] : memref<1x96xf32, #tpu.memory_space<vmem>>, vector<1x96xf32>
    %reduce_sum3A = arith.constant dense<0.000000e+00> : vector<96xf32>
    %reduce_sum3A_66 = vector.multi_reduction <add>, %mul3A_59, %reduce_sum3A [0] : vector<10000x96xf32> to vector<96xf32>
    %broadcast_in_dim3A_67 = vector.shape_cast %reduce_sum3A_66 : vector<96xf32> to vector<1x96xf32>
    %div3A_68 = arith.constant 1.000000e+04 : f32
    %div3A_69 = vector.broadcast %div3A_68 : f32 to vector<1x96xf32>
    %div3A_70 = arith.divf %broadcast_in_dim3A_67, %div3A_69 : vector<1x96xf32>
    %sub3A = vector.broadcast %div3A_70 : vector<1x96xf32> to vector<10000x96xf32>
    %sub3A_71 = arith.subf %mul3A_59, %sub3A : vector<10000x96xf32>
    %sub3A_72 = vector.broadcast %div3A_70 : vector<1x96xf32> to vector<10000x96xf32>
    %sub3A_73 = arith.subf %mul3A_59, %sub3A_72 : vector<10000x96xf32>
    %mul3A_74 = arith.mulf %sub3A_71, %sub3A_73 : vector<10000x96xf32>
    %reduce_sum3A_75 = arith.constant dense<0.000000e+00> : vector<96xf32>
    %reduce_sum3A_76 = vector.multi_reduction <add>, %mul3A_74, %reduce_sum3A_75 [0] : vector<10000x96xf32> to vector<96xf32>
    %broadcast_in_dim3A_77 = vector.shape_cast %reduce_sum3A_76 : vector<96xf32> to vector<1x96xf32>
    %div3A_78 = arith.constant 1.000000e+04 : f32
    %div3A_79 = vector.broadcast %div3A_78 : f32 to vector<1x96xf32>
    %div3A_80 = arith.divf %broadcast_in_dim3A_77, %div3A_79 : vector<1x96xf32>
    %sub3A_81 = vector.broadcast %div3A_70 : vector<1x96xf32> to vector<10000x96xf32>
    %sub3A_82 = arith.subf %mul3A_59, %sub3A_81 : vector<10000x96xf32>
    %mul3A_83 = vector.broadcast %get3A_62 : vector<1x96xf32> to vector<10000x96xf32>
    %mul3A_84 = arith.mulf %mul3A_83, %sub3A_82 : vector<10000x96xf32>
    %add3A_85 = arith.constant 9.99999974E-6 : f32
    %add3A_86 = vector.broadcast %add3A_85 : f32 to vector<1x96xf32>
    %add3A_87 = arith.addf %div3A_80, %add3A_86 : vector<1x96xf32>
    %rsqrt3A = math.rsqrt %add3A_87 : vector<1x96xf32>
    %mul3A_88 = vector.broadcast %rsqrt3A : vector<1x96xf32> to vector<10000x96xf32>
    %mul3A_89 = arith.mulf %mul3A_84, %mul3A_88 : vector<10000x96xf32>
    %add3A_90 = vector.broadcast %get3A_65 : vector<1x96xf32> to vector<10000x96xf32>
    %add3A_91 = arith.addf %mul3A_89, %add3A_90 : vector<10000x96xf32>
    %broadcast_in_dim3A_92 = arith.constant 0.000000e+00 : f32
    %broadcast_in_dim3A_93 = vector.broadcast %broadcast_in_dim3A_92 : f32 to vector<10000x32xf32>
    %concatenate3A = tpu.concatenate %add3A_91, %broadcast_in_dim3A_93 in 1 : vector<10000x96xf32>, vector<10000x32xf32> -> vector<10000x128xf32>
    %swap3A = arith.constant 0 : index
    %swap3A_94 = arith.constant 0 : index
    %swap3A_95 = vector.load %arg8[%swap3A, %swap3A_94] : memref<10000x128xf32, #tpu.memory_space<vmem>>, vector<10000x128xf32>
    tpu.vector_store %arg8[%swap3A, %swap3A_94], %concatenate3A {strides = array<i32>} : memref<10000x128xf32, #tpu.memory_space<vmem>>, vector<10000x128xf32>,
    return
  }
}

module attributes {stable_mosaic.version = 14 : i64} {
  func.func @body(%arg0: memref<10000x128xf32, #tpu.memory_space<vmem>>, %arg1: memref<20480x128xf32, #tpu.memory_space<vmem>>, %arg2: memref<128x96xf32, #tpu.memory_space<vmem>>, %arg3: memref<1x96xf32, #tpu.memory_space<vmem>>, %arg4: memref<96x96xf32, #tpu.memory_space<vmem>>, %arg5: memref<1x96xf32, #tpu.memory_space<vmem>>, %arg6: memref<1x96xf32, #tpu.memory_space<vmem>>, %arg7: memref<1x96xf32, #tpu.memory_space<vmem>>, %arg8: memref<1x10000xi32, #tpu.memory_space<vmem>>, %arg9: memref<96x128xf32, #tpu.memory_space<vmem>>, %arg10: memref<1x128xf32, #tpu.memory_space<vmem>>, %arg11: memref<128x512xf32, #tpu.memory_space<vmem>>, %arg12: memref<1x512xf32, #tpu.memory_space<vmem>>, %arg13: memref<512x128xf32, #tpu.memory_space<vmem>>, %arg14: memref<1x128xf32, #tpu.memory_space<vmem>>, %arg15: memref<128x1xf32, #tpu.memory_space<vmem>>, %arg16: memref<1x1xf32, #tpu.memory_space<vmem>>, %arg17: memref<256x1xf32, #tpu.memory_space<vmem>>) attributes {dimension_semantics = [], scalar_prefetch = 0 : i64, scratch_operands = 0 : i64, tpu.core_type = #tpu.core_type<tc>} {
    %get3A = arith.constant 0 : index
    %get3A_0 = arith.constant 0 : index
    %get3A_1 = vector.load %arg0[%get3A, %get3A_0] : memref<10000x128xf32, #tpu.memory_space<vmem>>, vector<10000x128xf32>
    %get3A_2 = arith.constant 0 : index
    %get3A_3 = arith.constant 0 : index
    %get3A_4 = vector.load %arg1[%get3A_2, %get3A_3] : memref<20480x128xf32, #tpu.memory_space<vmem>>, vector<10000x128xf32>
    %add3A = arith.addf %get3A_1, %get3A_4 : vector<10000x128xf32>
    %get3A_5 = arith.constant 10240 : index
    %get3A_6 = arith.constant 0 : index
    %get3A_7 = vector.load %arg1[%get3A_5, %get3A_6] : memref<20480x128xf32, #tpu.memory_space<vmem>>, vector<10000x128xf32>
    %add3A_8 = arith.addf %add3A, %get3A_7 : vector<10000x128xf32>
    %get3A_9 = arith.constant 0 : index
    %get3A_10 = arith.constant 0 : index
    %get3A_11 = vector.load %arg2[%get3A_9, %get3A_10] : memref<128x96xf32, #tpu.memory_space<vmem>>, vector<128x96xf32>
    %dot_general3A = arith.constant dense<0.000000e+00> : vector<10000x96xf32>
    %dot_general3A_12 = tpu.matmul %add3A_8, %get3A_11, %dot_general3A {dimension_numbers = #tpu.dot_dimension_numbers<[1], [0], [0], [1], [0, 0, 1, 1], [], []>, transpose_lhs_hint = false} : vector<10000x128xf32>, vector<128x96xf32>, vector<10000x96xf32> -> vector<10000x96xf32>
    %get3A_13 = arith.constant 0 : index
    %get3A_14 = arith.constant 0 : index
    %get3A_15 = vector.load %arg3[%get3A_13, %get3A_14] : memref<1x96xf32, #tpu.memory_space<vmem>>, vector<1x96xf32>
    %add3A_16 = vector.broadcast %get3A_15 : vector<1x96xf32> to vector<10000x96xf32>
    %add3A_17 = arith.addf %dot_general3A_12, %add3A_16 : vector<10000x96xf32>
    %min3A = arith.constant 2.000000e+01 : f32
    %min3A_18 = vector.broadcast %min3A : f32 to vector<10000x96xf32>
    %min3A_19 = arith.minimumf %add3A_17, %min3A_18 : vector<10000x96xf32>
    %exp3A = math.exp %min3A_19 : vector<10000x96xf32>
    %mul3A = arith.mulf %exp3A, %exp3A : vector<10000x96xf32>
    %mul3A_20 = arith.constant 2.000000e+00 : f32
    %mul3A_21 = vector.broadcast %mul3A_20 : f32 to vector<10000x96xf32>
    %mul3A_22 = arith.mulf %mul3A_21, %exp3A : vector<10000x96xf32>
    %add3A_23 = arith.addf %mul3A, %mul3A_22 : vector<10000x96xf32>
    %gt3A = arith.constant 2.000000e+01 : f32
    %gt3A_24 = vector.broadcast %gt3A : f32 to vector<10000x96xf32>
    %gt3A_25 = arith.cmpf ogt, %add3A_17, %gt3A_24 : vector<10000x96xf32>
    %add3A_26 = arith.constant 2.000000e+00 : f32
    %add3A_27 = vector.broadcast %add3A_26 : f32 to vector<10000x96xf32>
    %add3A_28 = arith.addf %add3A_23, %add3A_27 : vector<10000x96xf32>
    %div3A = arith.divf %add3A_23, %add3A_28 : vector<10000x96xf32>
    %jit3A = arith.constant 1.000000e+00 : f32
    %broadcast_in_dim3A = vector.broadcast %jit3A : f32 to vector<10000x96xf32>
    %select_n3A = arith.select %gt3A_25, %broadcast_in_dim3A, %div3A : vector<10000x96xi1>, vector<10000x96xf32>
    %mul3A_29 = arith.mulf %add3A_17, %select_n3A : vector<10000x96xf32>
    %get3A_30 = arith.constant 0 : index
    %get3A_31 = arith.constant 0 : index
    %get3A_32 = vector.load %arg4[%get3A_30, %get3A_31] : memref<96x96xf32, #tpu.memory_space<vmem>>, vector<96x96xf32>
    %dot_general3A_33 = arith.constant dense<0.000000e+00> : vector<10000x96xf32>
    %dot_general3A_34 = tpu.matmul %mul3A_29, %get3A_32, %dot_general3A_33 {dimension_numbers = #tpu.dot_dimension_numbers<[1], [0], [0], [1], [0, 0, 1, 1], [], []>, transpose_lhs_hint = false} : vector<10000x96xf32>, vector<96x96xf32>, vector<10000x96xf32> -> vector<10000x96xf32>
    %get3A_35 = arith.constant 0 : index
    %get3A_36 = arith.constant 0 : index
    %get3A_37 = vector.load %arg5[%get3A_35, %get3A_36] : memref<1x96xf32, #tpu.memory_space<vmem>>, vector<1x96xf32>
    %add3A_38 = vector.broadcast %get3A_37 : vector<1x96xf32> to vector<10000x96xf32>
    %add3A_39 = arith.addf %dot_general3A_34, %add3A_38 : vector<10000x96xf32>
    %min3A_40 = arith.constant 2.000000e+01 : f32
    %min3A_41 = vector.broadcast %min3A_40 : f32 to vector<10000x96xf32>
    %min3A_42 = arith.minimumf %add3A_39, %min3A_41 : vector<10000x96xf32>
    %exp3A_43 = math.exp %min3A_42 : vector<10000x96xf32>
    %mul3A_44 = arith.mulf %exp3A_43, %exp3A_43 : vector<10000x96xf32>
    %mul3A_45 = arith.constant 2.000000e+00 : f32
    %mul3A_46 = vector.broadcast %mul3A_45 : f32 to vector<10000x96xf32>
    %mul3A_47 = arith.mulf %mul3A_46, %exp3A_43 : vector<10000x96xf32>
    %add3A_48 = arith.addf %mul3A_44, %mul3A_47 : vector<10000x96xf32>
    %gt3A_49 = arith.constant 2.000000e+01 : f32
    %gt3A_50 = vector.broadcast %gt3A_49 : f32 to vector<10000x96xf32>
    %gt3A_51 = arith.cmpf ogt, %add3A_39, %gt3A_50 : vector<10000x96xf32>
    %add3A_52 = arith.constant 2.000000e+00 : f32
    %add3A_53 = vector.broadcast %add3A_52 : f32 to vector<10000x96xf32>
    %add3A_54 = arith.addf %add3A_48, %add3A_53 : vector<10000x96xf32>
    %div3A_55 = arith.divf %add3A_48, %add3A_54 : vector<10000x96xf32>
    %jit3A_56 = arith.constant 1.000000e+00 : f32
    %broadcast_in_dim3A_57 = vector.broadcast %jit3A_56 : f32 to vector<10000x96xf32>
    %select_n3A_58 = arith.select %gt3A_51, %broadcast_in_dim3A_57, %div3A_55 : vector<10000x96xi1>, vector<10000x96xf32>
    %mul3A_59 = arith.mulf %add3A_39, %select_n3A_58 : vector<10000x96xf32>
    %get3A_60 = arith.constant 0 : index
    %get3A_61 = arith.constant 0 : index
    %get3A_62 = vector.load %arg6[%get3A_60, %get3A_61] : memref<1x96xf32, #tpu.memory_space<vmem>>, vector<1x96xf32>
    %get3A_63 = arith.constant 0 : index
    %get3A_64 = arith.constant 0 : index
    %get3A_65 = vector.load %arg7[%get3A_63, %get3A_64] : memref<1x96xf32, #tpu.memory_space<vmem>>, vector<1x96xf32>
    %reduce_sum3A = arith.constant dense<0.000000e+00> : vector<96xf32>
    %reduce_sum3A_66 = vector.multi_reduction <add>, %mul3A_59, %reduce_sum3A [0] : vector<10000x96xf32> to vector<96xf32>
    %broadcast_in_dim3A_67 = vector.shape_cast %reduce_sum3A_66 : vector<96xf32> to vector<1x96xf32>
    %div3A_68 = arith.constant 1.000000e+04 : f32
    %div3A_69 = vector.broadcast %div3A_68 : f32 to vector<1x96xf32>
    %div3A_70 = arith.divf %broadcast_in_dim3A_67, %div3A_69 : vector<1x96xf32>
    %sub3A = vector.broadcast %div3A_70 : vector<1x96xf32> to vector<10000x96xf32>
    %sub3A_71 = arith.subf %mul3A_59, %sub3A : vector<10000x96xf32>
    %sub3A_72 = vector.broadcast %div3A_70 : vector<1x96xf32> to vector<10000x96xf32>
    %sub3A_73 = arith.subf %mul3A_59, %sub3A_72 : vector<10000x96xf32>
    %mul3A_74 = arith.mulf %sub3A_71, %sub3A_73 : vector<10000x96xf32>
    %reduce_sum3A_75 = arith.constant dense<0.000000e+00> : vector<96xf32>
    %reduce_sum3A_76 = vector.multi_reduction <add>, %mul3A_74, %reduce_sum3A_75 [0] : vector<10000x96xf32> to vector<96xf32>
    %broadcast_in_dim3A_77 = vector.shape_cast %reduce_sum3A_76 : vector<96xf32> to vector<1x96xf32>
    %div3A_78 = arith.constant 1.000000e+04 : f32
    %div3A_79 = vector.broadcast %div3A_78 : f32 to vector<1x96xf32>
    %div3A_80 = arith.divf %broadcast_in_dim3A_77, %div3A_79 : vector<1x96xf32>
    %sub3A_81 = vector.broadcast %div3A_70 : vector<1x96xf32> to vector<10000x96xf32>
    %sub3A_82 = arith.subf %mul3A_59, %sub3A_81 : vector<10000x96xf32>
    %mul3A_83 = vector.broadcast %get3A_62 : vector<1x96xf32> to vector<10000x96xf32>
    %mul3A_84 = arith.mulf %mul3A_83, %sub3A_82 : vector<10000x96xf32>
    %add3A_85 = arith.constant 9.99999974E-6 : f32
    %add3A_86 = vector.broadcast %add3A_85 : f32 to vector<1x96xf32>
    %add3A_87 = arith.addf %div3A_80, %add3A_86 : vector<1x96xf32>
    %rsqrt3A = math.rsqrt %add3A_87 : vector<1x96xf32>
    %mul3A_88 = vector.broadcast %rsqrt3A : vector<1x96xf32> to vector<10000x96xf32>
    %mul3A_89 = arith.mulf %mul3A_84, %mul3A_88 : vector<10000x96xf32>
    %add3A_90 = vector.broadcast %get3A_65 : vector<1x96xf32> to vector<10000x96xf32>
    %add3A_91 = arith.addf %mul3A_89, %add3A_90 : vector<10000x96xf32>
    %iota3A = tpu.iota {dimensions = array<i32: 0>} : vector<256x10000xi32>
    %get3A_92 = arith.constant 0 : index
    %get3A_93 = arith.constant 0 : index
    %get3A_94 = vector.load %arg8[%get3A_92, %get3A_93] : memref<1x10000xi32, #tpu.memory_space<vmem>>, vector<1x10000xi32>
    %eq3A = vector.broadcast %get3A_94 : vector<1x10000xi32> to vector<256x10000xi32>
    %eq3A_95 = arith.cmpi eq, %iota3A, %eq3A : vector<256x10000xi32>
    %jit3A_96 = arith.constant 1.000000e+00 : f32
    %jit3A_97 = arith.constant 0.000000e+00 : f32
    %broadcast_in_dim3A_98 = vector.broadcast %jit3A_96 : f32 to vector<256x10000xf32>
    %broadcast_in_dim3A_99 = vector.broadcast %jit3A_97 : f32 to vector<256x10000xf32>
    %select_n3A_100 = arith.select %eq3A_95, %broadcast_in_dim3A_98, %broadcast_in_dim3A_99 : vector<256x10000xi1>, vector<256x10000xf32>
    %dot_general3A_101 = arith.constant dense<0.000000e+00> : vector<256x96xf32>
    %dot_general3A_102 = tpu.matmul %select_n3A_100, %add3A_91, %dot_general3A_101 {dimension_numbers = #tpu.dot_dimension_numbers<[1], [0], [0], [1], [0, 0, 1, 1], [], []>, precision = #tpu.contract_precision<fp32>, transpose_lhs_hint = false} : vector<256x10000xf32>, vector<10000x96xf32>, vector<256x96xf32> -> vector<256x96xf32>
    %get3A_103 = arith.constant 0 : index
    %get3A_104 = arith.constant 0 : index
    %get3A_105 = vector.load %arg9[%get3A_103, %get3A_104] : memref<96x128xf32, #tpu.memory_space<vmem>>, vector<96x128xf32>
    %dot_general3A_106 = arith.constant dense<0.000000e+00> : vector<256x128xf32>
    %dot_general3A_107 = tpu.matmul %dot_general3A_102, %get3A_105, %dot_general3A_106 {dimension_numbers = #tpu.dot_dimension_numbers<[1], [0], [0], [1], [0, 0, 1, 1], [], []>, transpose_lhs_hint = false} : vector<256x96xf32>, vector<96x128xf32>, vector<256x128xf32> -> vector<256x128xf32>
    %get3A_108 = arith.constant 0 : index
    %get3A_109 = arith.constant 0 : index
    %get3A_110 = vector.load %arg10[%get3A_108, %get3A_109] : memref<1x128xf32, #tpu.memory_space<vmem>>, vector<1x128xf32>
    %add3A_111 = vector.broadcast %get3A_110 : vector<1x128xf32> to vector<256x128xf32>
    %add3A_112 = arith.addf %dot_general3A_107, %add3A_111 : vector<256x128xf32>
    %min3A_113 = arith.constant 2.000000e+01 : f32
    %min3A_114 = vector.broadcast %min3A_113 : f32 to vector<256x128xf32>
    %min3A_115 = arith.minimumf %add3A_112, %min3A_114 : vector<256x128xf32>
    %exp3A_116 = math.exp %min3A_115 : vector<256x128xf32>
    %mul3A_117 = arith.mulf %exp3A_116, %exp3A_116 : vector<256x128xf32>
    %mul3A_118 = arith.constant 2.000000e+00 : f32
    %mul3A_119 = vector.broadcast %mul3A_118 : f32 to vector<256x128xf32>
    %mul3A_120 = arith.mulf %mul3A_119, %exp3A_116 : vector<256x128xf32>
    %add3A_121 = arith.addf %mul3A_117, %mul3A_120 : vector<256x128xf32>
    %gt3A_122 = arith.constant 2.000000e+01 : f32
    %gt3A_123 = vector.broadcast %gt3A_122 : f32 to vector<256x128xf32>
    %gt3A_124 = arith.cmpf ogt, %add3A_112, %gt3A_123 : vector<256x128xf32>
    %add3A_125 = arith.constant 2.000000e+00 : f32
    %add3A_126 = vector.broadcast %add3A_125 : f32 to vector<256x128xf32>
    %add3A_127 = arith.addf %add3A_121, %add3A_126 : vector<256x128xf32>
    %div3A_128 = arith.divf %add3A_121, %add3A_127 : vector<256x128xf32>
    %jit3A_129 = arith.constant 1.000000e+00 : f32
    %broadcast_in_dim3A_130 = vector.broadcast %jit3A_129 : f32 to vector<256x128xf32>
    %select_n3A_131 = arith.select %gt3A_124, %broadcast_in_dim3A_130, %div3A_128 : vector<256x128xi1>, vector<256x128xf32>
    %mul3A_132 = arith.mulf %add3A_112, %select_n3A_131 : vector<256x128xf32>
    %get3A_133 = arith.constant 0 : index
    %get3A_134 = arith.constant 0 : index
    %get3A_135 = vector.load %arg11[%get3A_133, %get3A_134] : memref<128x512xf32, #tpu.memory_space<vmem>>, vector<128x512xf32>
    %dot_general3A_136 = arith.constant dense<0.000000e+00> : vector<256x512xf32>
    %dot_general3A_137 = tpu.matmul %mul3A_132, %get3A_135, %dot_general3A_136 {dimension_numbers = #tpu.dot_dimension_numbers<[1], [0], [0], [1], [0, 0, 1, 1], [], []>, transpose_lhs_hint = false} : vector<256x128xf32>, vector<128x512xf32>, vector<256x512xf32> -> vector<256x512xf32>
    %get3A_138 = arith.constant 0 : index
    %get3A_139 = arith.constant 0 : index
    %get3A_140 = vector.load %arg12[%get3A_138, %get3A_139] : memref<1x512xf32, #tpu.memory_space<vmem>>, vector<1x512xf32>
    %add3A_141 = vector.broadcast %get3A_140 : vector<1x512xf32> to vector<256x512xf32>
    %add3A_142 = arith.addf %dot_general3A_137, %add3A_141 : vector<256x512xf32>
    %min3A_143 = arith.constant 2.000000e+01 : f32
    %min3A_144 = vector.broadcast %min3A_143 : f32 to vector<256x512xf32>
    %min3A_145 = arith.minimumf %add3A_142, %min3A_144 : vector<256x512xf32>
    %exp3A_146 = math.exp %min3A_145 : vector<256x512xf32>
    %mul3A_147 = arith.mulf %exp3A_146, %exp3A_146 : vector<256x512xf32>
    %mul3A_148 = arith.constant 2.000000e+00 : f32
    %mul3A_149 = vector.broadcast %mul3A_148 : f32 to vector<256x512xf32>
    %mul3A_150 = arith.mulf %mul3A_149, %exp3A_146 : vector<256x512xf32>
    %add3A_151 = arith.addf %mul3A_147, %mul3A_150 : vector<256x512xf32>
    %gt3A_152 = arith.constant 2.000000e+01 : f32
    %gt3A_153 = vector.broadcast %gt3A_152 : f32 to vector<256x512xf32>
    %gt3A_154 = arith.cmpf ogt, %add3A_142, %gt3A_153 : vector<256x512xf32>
    %add3A_155 = arith.constant 2.000000e+00 : f32
    %add3A_156 = vector.broadcast %add3A_155 : f32 to vector<256x512xf32>
    %add3A_157 = arith.addf %add3A_151, %add3A_156 : vector<256x512xf32>
    %div3A_158 = arith.divf %add3A_151, %add3A_157 : vector<256x512xf32>
    %jit3A_159 = arith.constant 1.000000e+00 : f32
    %broadcast_in_dim3A_160 = vector.broadcast %jit3A_159 : f32 to vector<256x512xf32>
    %select_n3A_161 = arith.select %gt3A_154, %broadcast_in_dim3A_160, %div3A_158 : vector<256x512xi1>, vector<256x512xf32>
    %mul3A_162 = arith.mulf %add3A_142, %select_n3A_161 : vector<256x512xf32>
    %get3A_163 = arith.constant 0 : index
    %get3A_164 = arith.constant 0 : index
    %get3A_165 = vector.load %arg13[%get3A_163, %get3A_164] : memref<512x128xf32, #tpu.memory_space<vmem>>, vector<512x128xf32>
    %dot_general3A_166 = arith.constant dense<0.000000e+00> : vector<256x128xf32>
    %dot_general3A_167 = tpu.matmul %mul3A_162, %get3A_165, %dot_general3A_166 {dimension_numbers = #tpu.dot_dimension_numbers<[1], [0], [0], [1], [0, 0, 1, 1], [], []>, transpose_lhs_hint = false} : vector<256x512xf32>, vector<512x128xf32>, vector<256x128xf32> -> vector<256x128xf32>
    %get3A_168 = arith.constant 0 : index
    %get3A_169 = arith.constant 0 : index
    %get3A_170 = vector.load %arg14[%get3A_168, %get3A_169] : memref<1x128xf32, #tpu.memory_space<vmem>>, vector<1x128xf32>
    %add3A_171 = vector.broadcast %get3A_170 : vector<1x128xf32> to vector<256x128xf32>
    %add3A_172 = arith.addf %dot_general3A_167, %add3A_171 : vector<256x128xf32>
    %min3A_173 = arith.constant 2.000000e+01 : f32
    %min3A_174 = vector.broadcast %min3A_173 : f32 to vector<256x128xf32>
    %min3A_175 = arith.minimumf %add3A_172, %min3A_174 : vector<256x128xf32>
    %exp3A_176 = math.exp %min3A_175 : vector<256x128xf32>
    %mul3A_177 = arith.mulf %exp3A_176, %exp3A_176 : vector<256x128xf32>
    %mul3A_178 = arith.constant 2.000000e+00 : f32
    %mul3A_179 = vector.broadcast %mul3A_178 : f32 to vector<256x128xf32>
    %mul3A_180 = arith.mulf %mul3A_179, %exp3A_176 : vector<256x128xf32>
    %add3A_181 = arith.addf %mul3A_177, %mul3A_180 : vector<256x128xf32>
    %gt3A_182 = arith.constant 2.000000e+01 : f32
    %gt3A_183 = vector.broadcast %gt3A_182 : f32 to vector<256x128xf32>
    %gt3A_184 = arith.cmpf ogt, %add3A_172, %gt3A_183 : vector<256x128xf32>
    %add3A_185 = arith.constant 2.000000e+00 : f32
    %add3A_186 = vector.broadcast %add3A_185 : f32 to vector<256x128xf32>
    %add3A_187 = arith.addf %add3A_181, %add3A_186 : vector<256x128xf32>
    %div3A_188 = arith.divf %add3A_181, %add3A_187 : vector<256x128xf32>
    %jit3A_189 = arith.constant 1.000000e+00 : f32
    %broadcast_in_dim3A_190 = vector.broadcast %jit3A_189 : f32 to vector<256x128xf32>
    %select_n3A_191 = arith.select %gt3A_184, %broadcast_in_dim3A_190, %div3A_188 : vector<256x128xi1>, vector<256x128xf32>
    %mul3A_192 = arith.mulf %add3A_172, %select_n3A_191 : vector<256x128xf32>
    %get3A_193 = arith.constant 0 : index
    %get3A_194 = arith.constant 0 : index
    %get3A_195 = vector.load %arg15[%get3A_193, %get3A_194] : memref<128x1xf32, #tpu.memory_space<vmem>>, vector<128x1xf32>
    %dot_general3A_196 = arith.constant dense<0.000000e+00> : vector<256x1xf32>
    %dot_general3A_197 = tpu.matmul %mul3A_192, %get3A_195, %dot_general3A_196 {dimension_numbers = #tpu.dot_dimension_numbers<[1], [0], [0], [1], [0, 0, 1, 1], [], []>, transpose_lhs_hint = false} : vector<256x128xf32>, vector<128x1xf32>, vector<256x1xf32> -> vector<256x1xf32>
    %get3A_198 = arith.constant 0 : index
    %get3A_199 = arith.constant 0 : index
    %get3A_200 = vector.load %arg16[%get3A_198, %get3A_199] : memref<1x1xf32, #tpu.memory_space<vmem>>, vector<1x1xf32>
    %add3A_201 = vector.broadcast %get3A_200 : vector<1x1xf32> to vector<256x1xf32>
    %add3A_202 = arith.addf %dot_general3A_197, %add3A_201 : vector<256x1xf32>
    %swap3A = arith.constant 0 : index
    %swap3A_203 = arith.constant 0 : index
    %swap3A_204 = vector.load %arg17[%swap3A, %swap3A_203] : memref<256x1xf32, #tpu.memory_space<vmem>>, vector<256x1xf32>
    tpu.vector_store %arg17[%swap3A, %swap3A_203], %add3A_202 {strides = array<i32>} : memref<256x1xf32, #tpu.memory_space<vmem>>, vector<256x1xf32>,
    return
  }
}

</mosaic_0001>

<sc_bundles>
// kernel: kernel.6.cloned.1.call-start
scs
__scs_entry_jumppad:
0x0: {  	(pc) =	sbr.rel $0x88, $3  }
0x1: {  	(tag) =	ssettag $0x0;
	lr =	simm.s32 $0x1  }
0x2: {  	[smem:$0x3F8A] =	sst lr;
	_ =	strace $0xD0000000  }
0x3: {  	_ = 	snop  }
0x4: {  	_ = 	snop  }
0x5: {  	_ = 	snop  }
0x6: {  	_ = 	snop  }
0x7: {  	_ = 	snop  }
__scs_overlays_trampoline_lowered:
0x8: {  	[smem:$0x3F99] =	sst s0  }
0x9: {  	[smem:$0x3F9A] =	sst s1  }
0xa: {  	[smem:$0x3F9B] =	sst s2  }
0xb: {  	[smem:$0x3F9C] =	sst s3  }
0xc: {  	[smem:$0x3F9D] =	sst s4  }
0xd: {  	[smem:$0x3F9E] =	sst s5  }
0xe: {  	[smem:$0x3F9F] =	sst s6  }
0xf: {  	[smem:$0x3FA0] =	sst s7  }
0x10: {  	[smem:$0x3FA1] =	sst s8  }
0x11: {  	[smem:$0x3FA2] =	sst s9;
	s0 =	simm.s32 @!p0 $0x0  }
0x12: {  	s1 =	sld [smem:$0x3F88];
	s0 =	simm.s32 @p0 $0x1  }
0x13: {  	[smem:$0x3FA3] =	sst s0;
	s0 =	simm.s32 @!p1 $0x0  }
0x14: {  	s2 =	sld [smem:$0x3F87];
	s0 =	simm.s32 @p1 $0x1  }
0x15: {  	[smem:$0x3FA4] =	sst s0;
	s0 =	simm.s32 @!p2 $0x0  }
0x16: {  	s3 =	sld [smem:$0x3FDB];
	s0 =	simm.s32 @p2 $0x1  }
0x17: {  	s4 =	simm.s32 $0x1BF5;
	[smem:$0x3FA6] =	sst s0  }
0x18: {  	s0 =	sld [smem:$0x3F89];
	_ =	swait.ge [sflag:s4], $0x0  }
0x19: {  	s7 =	sld [smem:$0x3F8A]  }
0x1a: {  	s8 =	sadd.s32 $0xFFFFE003, lr  }
0x1b: {  	s9 =	sadd.s32 $0xFFFFFEF7, lr;
	s5 =	simm.s32 $0xFFFFFFFF;
	p2 =	slt.u32 s8, $0xFFFFF086  }
0x1c: {  	p1 =	slt.u32 s9, $0xF7A;
	s5 =	simm.s32 @!p2 $0x0  }
0x1d: {  	s5 =	simm.s32 @p1 $0x1;
	p0 =	seq.s32 s7, s2  }
0x1e: {  	s7 =	smul.u32 @!p0 $0xF7A, s2;
	p2 =	seq.s32 @!p0 s5, $0x0  }
0x1f: {  	s9 =	smul.u32 $0xF7A, s1;
	s8 =	simm.s32 @!p0 $0x1BF5;
	p2 =	por !p2, p0  }
0x20: {  	[sflag:s8] =	ssyncset.s32 @!p0 $0xFFFFF086;
	s6 =	sadd.s32 @!p0 s3, s7;
	s7 =	simm.s32 @!p0 $0x108  }
0x21: {  	s3 =	sadd.s32 s3, s9;
	s6 =	sadd.s32 @!p0 $0x88, s6;
	s7 =	simm.s32 @p2 $0x1082  }
0x22: {  	[simem:s7], [sflag:s8] =	dma.local @!p0 [hbm:s6], $0xF7A  }
0x23: {  	s9 =	sor.u32 $0xD0000000, s2;
	s6 =	simm.s32 $0x108;
	_ =	swait.ge @!p0 [sflag:s8], $0x0  }
0x24: {  	s3 =	sadd.s32 $0x88, s3;
	s6 =	simm.s32 @!p1 $0x1082;
	[sflag:s4] =	ssyncset.s32 $0xFFFFF086  }
0x25: {  	[simem:s6], [sflag:s4] =	dma.local [hbm:s3], $0xF7A  }
0x26: {  	[smem:$0x3F8A] =	sst s1;
	(tag) =	ssettag s2;
	_ =	strace s9  }
0x27: {  	s1 =	sld [smem:$0x3F9A]  }
0x28: {  	s2 =	sld [smem:$0x3F9B]  }
0x29: {  	s4 =	sld [smem:$0x3F9D]  }
0x2a: {  	p0 =	seq.s32 s5, $0x0;
	s5 =	sld [smem:$0x3F9E]  }
0x2b: {  	s6 =	sld [smem:$0x3F9F]  }
0x2c: {  	s7 =	sld [smem:$0x3FA0]  }
0x2d: {  	s3 =	simm.s32 $0x108;
	s8 =	sld [smem:$0x3FA1]  }
0x2e: {  	s3 =	simm.s32 @!p0 $0x1082;
	s9 =	sld [smem:$0x3FA2]  }
0x2f: {  	lr =	sadd.s32 s0, s3;
	s0 =	sld [smem:$0x3F99]  }
0x30: {  	s3 =	sld [smem:$0x3F9C]  }
0x31: {  	[smem:$0x3FA5] =	sst s10  }
0x32: {  	s10 =	sld [smem:$0x3FA3];
	_ =	sdelay $0x3  }
0x33: {  	p0 =	seq.s32 s10, $0x1;
	s10 =	sld [smem:$0x3FA5];
	_ =	sdelay $0x3  }
0x34: {  	[smem:$0x3FA5] =	sst s10  }
0x35: {  	s10 =	sld [smem:$0x3FA4];
	_ =	sdelay $0x3  }
0x36: {  	p1 =	seq.s32 s10, $0x1;
	s10 =	sld [smem:$0x3FA5];
	_ =	sdelay $0x3  }
0x37: {  	[smem:$0x3FA5] =	sst s10  }
0x38: {  	s10 =	sld [smem:$0x3FA6]  }
0x39: {  	_ = 	snop;
	(pc) =	sbr.ind lr, $3  }
0x3a: {  	_ = 	snop  }
0x3b: {  	_ = 	snop  }
0x3c: {  	p2 =	seq.s32 s10, $0x1;
	s10 =	sld [smem:$0x3FA5]  }
0x3d: {  	_ =	shalt  }
0x3e: {  	_ =	shalt  }
0x3f: {  	_ =	shalt  }
0x40: {  	_ =	shalt  }
0x41: {  	_ =	shalt  }
0x42: {  	_ =	shalt  }
0x43: {  	_ =	shalt  }
0x44: {  	_ =	shalt  }
0x45: {  	_ =	shalt  }
0x46: {  	_ =	shalt  }
0x47: {  	_ =	shalt  }
0x48: {  	_ =	shalt  }
0x49: {  	_ =	shalt  }
0x4a: {  	_ =	shalt  }
0x4b: {  	_ =	shalt  }
0x4c: {  	_ =	shalt  }
0x4d: {  	_ =	shalt  }
0x4e: {  	_ =	shalt  }
0x4f: {  	_ =	shalt  }
0x50: {  	_ =	shalt  }
0x51: {  	_ =	shalt  }
0x52: {  	_ =	shalt  }
0x53: {  	_ =	shalt  }
0x54: {  	_ =	shalt  }
0x55: {  	_ =	shalt  }
0x56: {  	_ =	shalt  }
0x57: {  	_ =	shalt  }
0x58: {  	_ =	shalt  }
0x59: {  	_ =	shalt  }
0x5a: {  	_ =	shalt  }
0x5b: {  	_ =	shalt  }
0x5c: {  	_ =	shalt  }
0x5d: {  	_ =	shalt  }
0x5e: {  	_ =	shalt  }
0x5f: {  	_ =	shalt  }
0x60: {  	_ =	shalt  }
0x61: {  	_ =	shalt  }
0x62: {  	_ =	shalt  }
0x63: {  	_ =	shalt  }
0x64: {  	_ =	shalt  }
0x65: {  	_ =	shalt  }
0x66: {  	_ =	shalt  }
0x67: {  	_ =	shalt  }
0x68: {  	_ =	shalt  }
0x69: {  	_ =	shalt  }
0x6a: {  	_ =	shalt  }
0x6b: {  	_ =	shalt  }
0x6c: {  	_ =	shalt  }
0x6d: {  	_ =	shalt  }
0x6e: {  	_ =	shalt  }
0x6f: {  	_ =	shalt  }
0x70: {  	_ =	shalt  }
0x71: {  	_ =	shalt  }
0x72: {  	_ =	shalt  }
0x73: {  	_ =	shalt  }
0x74: {  	_ =	shalt  }
0x75: {  	_ =	shalt  }
0x76: {  	_ =	shalt  }
0x77: {  	_ =	shalt  }
0x78: {  	_ =	shalt  }
0x79: {  	_ =	shalt  }
0x7a: {  	_ =	shalt  }
0x7b: {  	_ =	shalt  }
0x7c: {  	_ =	shalt  }
0x7d: {  	_ =	shalt  }
0x7e: {  	_ =	shalt  }
0x7f: {  	_ =	shalt  }
0x80: {  	_ =	shalt  }
0x81: {  	_ =	shalt  }
0x82: {  	_ =	shalt  }
0x83: {  	_ =	shalt  }
0x84: {  	_ =	shalt  }
0x85: {  	_ =	shalt  }
0x86: {  	_ =	shalt  }
0x87: {  	_ =	shalt  }
.Lfunc_end0:
.L_simem_size_0:
called_computation_lowered:
.L_overlay_start_0:
0x88: {  	s2 =	sld [smem:$0x3FD9]  }
0x89: {  	s3 =	sld [smem:$0x3FFE];
	_ =	sdelay $0x1  }
0x8a: {  	s1 =	srdreg.scid  }
0x8b: {  	s0 =	sand.u32 $0x1, s1  }
0x8c: {  	s17 =	sshll.u32 s0, $0xA;
	s2 =	sadd.s32 s3, s2  }
0x8d: {  	s2 =	sadd.s32 s2, s17  }
0x8e: {  	[smem:$0x3FB1] =	sst s2  }
0x8f: {  	_ = 	snop  }
0x90: {  	s2 =	sld [smem:$0x3FC9];
	(tm) =	ssettm $0x1  }
0x91: {  	s18 =	sld [smem:$0x3FFB];
	_ =	sdelay $0x3  }
0x92: {  	_ =	strace s18  }
0x93: {  	s3 =	sld [smem:$0x3FFC];
	_ =	sdelay $0x3  }
0x94: {  	_ =	strace s3  }
0x95: {  	s3 =	sld [smem:$0x3FFD];
	_ =	sdelay $0x3  }
0x96: {  	_ =	strace s3  }
0x97: {  	_ =	strace $0x8FFFFFFF  }
0x98: {  	s19 =	sld [smem:$0x3FDB];
	_ =	sdelay $0x1  }
0x99: {  	s4 =	simm.s32 $_scs_section_size  }
0x9a: {  	s5 =	simm.s32 $_size__tile_overlayer_lowered;
	s6 =	simm.s32 $_tile_overlayer_lowered  }
0x9b: {  	s22 =	simm.s32 $0x1BFF;
	s21 =	sshll.u32 s6, $0x1;
	s3 =	sadd.s32 s4, s19  }
0x9c: {  	s7 =	simm.s32 $0x0;
	s20 =	sshll.u32 s5, $0x1;
	s5 =	sadd.s32 s21, s3  }
0x9d: {  	[timem:s7], [sflag:s22] =	dma.local [hbm:s5], s20  }
0x9e: {  	_ =	swait.ge [sflag:s22], s20  }
0x9f: {  	s4 =	ssub.s32 $0x0, s20;
	[sflag:s22] =	ssyncset.done $0x0  }
0xa0: {  	[sflag:s22] =	ssyncadd.s32 s4;
	_ =	sdelay $0x1  }
0xa1: {  	s23 =	simm.s32 $0x1B8B  }
0xa2: {  	_ =	swait.ge [sflag:s23], $0x1  }
0xa3: {  	[sflag:s23] =	ssyncset.done $0x0  }
0xa4: {  	s25 =	simm.s32 $0x1B8E;
	s24 =	sld [smem:$0x3FFE];
	[sflag:s23] =	ssyncadd.s32 $0xFFFFFFFF  }
0xa5: {  	s26 =	simm.s32 $execute0_lowered;
	[smem:$0x3FD2] =	sst s25  }
0xa6: {  	s5 =	sshll.u32 s26, $0x1;
	_ =	strace $0x80000046;
	[dreg:$0x1] =	wrdreg $0xFFFFFFFF  }
0xa7: {  	s28 =	simm.s32 $_size_execute0_lowered;
	s3 =	sadd.s32 s3, s5;
	[dreg:$0x0] =	wrdreg $0x0  }
0xa8: {  	s5 =	sshll.u32 s28, $0x1;
	[dreg:$0x2] =	wrdreg s3  }
0xa9: {  	[dreg:$0x3] =	wrdreg s5  }
0xaa: {  	[dreg:$0x4] =	wrdreg $0xC0  }
0xab: {  	_ =	task [dreg:s7], $0x5FFFF  }
0xac: {  	[dreg:$0x1] =	wrdreg $0xFFFFFFFF  }
0xad: {  	[dreg:$0x0] =	wrdreg $0x60  }
0xae: {  	[dreg:$0x2] =	wrdreg s2  }
0xaf: {  	[dreg:$0x3] =	wrdreg s24  }
0xb0: {  	[dreg:$0x4] =	wrdreg $0x82000  }
0xb1: {  	[dreg:$0x5] =	wrdreg $0x9  }
0xb2: {  	_ =	task.clear_ibuf [dreg:s7], $0x6FFFF;
	_ =	strace $0x90000046  }
0xb3: {  	s29 =	simm.s32 $0x9;
	_ =	strace $0x80000048  }
0xb4: {  	_ =	swait.ge [sflag:s29], $0x1  }
0xb5: {  	[sflag:s29] =	ssyncadd.s32 $0xFFFFFFFF  }
0xb6: {  	_ =	strace $0x90000048  }
0xb7: {  	_ =	sfence  }
0xb8: {  	s30 =	sld [smem:$0x0];
	_ =	sdelay $0x2  }
0xb9: {  	s31 =	sshll.u32 s1, $0xD;
	s1 =	sshrl.u32 s1, $0x2  }
0xba: {  	s3 =	sand.u32 $0x4000, s31;
	s1 =	sadd.s32 s1, s30  }
0xbb: {  	s0 =	sor.u32 s3, s0;
	s1 =	sshll.u32 s1, $0x11  }
0xbc: {  	s0 =	sor.u32 s1, s0  }
0xbd: {  	s0 =	sadd.s32 $0x8F2B, s0  }
0xbe: {  	[sflag:s0] =	ssyncadd.remote.s32 $0x1  }
0xbf: {  	_ =	sfence.sel $0xFFFF  }
0xc0: {  	[dreg:$0x0] =	wrdreg $0xFFFFFFFF;
	(pc) =	sbr.abs _section_cstart, $3  }
0xc1: {  	[dreg:$0x1] =	wrdreg $0xFFFFFFFF  }
0xc2: {  	_ =	task.clear_ibuf [dreg:s7], $0x2FFFF;
	_ =	strace $0x9FFFFFFF  }
0xc3: {  	(tm) =	ssettm $0x7FFFFFFF  }
tec
execute0_lowered:
.L_overlay_start_1:
0x0: {  	(tag) =	ssettag $0x1  }
0x1: {  	s1 =	rddreg [dreg:$0x0]  }
0x2: {  	s0 =	rddreg [dreg:$0x1]  }
0x3: {  	s3 =	rddreg [dreg:$0x2];
	s2 =	srdreg.scid;
	s4 =	simm.s32 $0x0  }
0x4: {  	s10 =	stileid.u32;
	s20 =	simm.s32 $0x80;
	s21 =	simm.s32 $0x100  }
0x5: {  	s22 =	simm.s32 $0x180;
	s28 =	simm.s32 $0x2;
	s29 =	simm.s32 $0x3  }
0x6: {  	s30 =	simm.s32 $0x4;
	s31 =	simm.s32 $0x0;
	s7 =	smul.u32 $0x2800, s10  }
0x7: {  	s2 =	sand.u32 $0x1, s2;
	[smem:$0x7FF] =	sst s4;
	s9 =	smul.u32 $0x50000, s10  }
0x8: {  	s6 =	sshll.u32 s10, $0x1;
	s19 =	sadd.s32 $0x3A00, s0;
	s14 =	smul.u32 $0x5000, s10  }
0x9: {  	s18 =	sadd.s32 $0xDA00, s0;
	s5 =	smul.u32 $0x28000, s2;
	_ =	strace $0x80000047  }
0xa: {  	s6 =	sor.u32 s2, s6;
	s8 =	ssub.s32 $0x2, s2;
	s2 =	smul.u32 $0x2800, s2  }
0xb: {  	s6 =	smul.u32 $0x2800, s6;
	s23 =	sshrl.u32 s8, $0x1;
	s9 =	sshrl.u32 s9, $0x2  }
0xc: {  	s5 =	sadd.s32 s7, s5;
	s11 =	ssub.s32 s8, s23;
	s9 =	sadd.s32 s9, s3  }
0xd: {  	s26 =	sadd.s32 s2, s14;
	s23 =	simm.s32 $0x4200;
	s0 =	sadd.s32 s5, s0  }
0xe: {  	s6 =	sshrl.u32 s6, $0x3;
	s11 =	smax.u32 s11, $0x1;
	s12 =	sadd.s32 $0x4000, s9  }
0xf: {  	s13 =	sadd.s32 $0x8000, s9;
	s14 =	sadd.s32 $0xC000, s9;
	s2 =	sor.u32 $0x180, s26  }
0x10: {  	s15 =	sadd.s32 $0x10000, s9;
	s24 =	sadd.s32 s19, s6;
	s25 =	sor.u32 $0x10, s6  }
0x11: {  	s6 =	sadd.s32 s18, s6;
	s10 =	sadd.s32 $0x17A00, s0;
	s0 =	sor.u32 $0x100, s26  }
0x12: {  	s2 =	sshrl.u32 s2, $0x3;
	s26 =	simm.s32 $0x200;
	[dreg:$0x4] =	wrdreg s24  }
0x13: {  	s7 =	sadd.s32 s19, s25;
	s8 =	sadd.s32 s18, s25;
	s0 =	sshrl.u32 s0, $0x3  }
0x14: {  	s16 =	sadd.s32 s2, s18;
	s17 =	sadd.s32 s2, s19;
	s24 =	simm.s32 $0x5  }
0x15: {  	v0 =	vimm.f32 $0.0e+00;
	s25 =	simm.s32 $0x1;
	s18 =	sadd.s32 s0, s18;
	s19 =	sadd.s32 s0, s19  }
.LBB2_1:
0x16: {  	s0 =	rddreg [dreg:$0x4]  }
0x17: {  	[tilespmem:s4], [sflag:$0x1] =	stream.linear.gather [hbm4b:s0+s4], $0x80, $0x38;
	[tilespmem:$0x1C200] =	vst v63  }
0x18: {  	_ = 	snop  }
0x19: {  	[tilespmem:s20], [sflag:$0x1] =	stream.linear.gather [hbm4b:s6+s4], $0x80, $0x38;
	[tilespmem:$0x1C200] =	vst v63  }
0x1a: {  	_ = 	snop  }
0x1b: {  	[tilespmem:s21], [sflag:$0x2] =	stream.linear.gather [hbm4b:s7+s4], $0x80, $0x38;
	[tilespmem:$0x1C200] =	vst v63  }
0x1c: {  	s2 =	simm.s32 $0x200;
	s0 =	simm.s32 $0x0  }
0x1d: {  	[tilespmem:s22], [sflag:$0x2] =	stream.linear.gather [hbm4b:s8+s4], $0x80, $0x38;
	[tilespmem:$0x1C200] =	vst v63  }
.LBB2_2:
0x1e: {  	p0 =	sne.s32 s2, $0xFE00;
	[tilespmem:s0+$0x4270] =	vst v0  }
0x1f: {  	[tilespmem:s0+$0x4200] =	vst v0  }
0x20: {  	[tilespmem:s0+$0x4210] =	vst v0  }
.Ltmp0:
0x21: {  	[tilespmem:s0+$0x4220] =	vst v0;
	(pc) =	sbr.rel @p0 .LBB2_2-.Ltmp0, $4  }
0x22: {  	[tilespmem:s0+$0x4230] =	vst v0  }
0x23: {  	[tilespmem:s0+$0x4240] =	vst v0  }
0x24: {  	[tilespmem:s0+$0x4250] =	vst v0  }
0x25: {  	[tilespmem:s0+$0x4260] =	vst v0;
	s0 =	sshra.s32 s2, $0x2;
	s2 =	sadd.s32 $0x200, s2  }
0x26: {  	[tilespmem:s0+$0x4270] =	vst v0  }
0x27: {  	[tilespmem:s0+$0x4200] =	vst v0  }
0x28: {  	[tilespmem:s0+$0x4210] =	vst v0  }
0x29: {  	[tilespmem:s0+$0x4220] =	vst v0  }
0x2a: {  	[tilespmem:s0+$0x4230] =	vst v0  }
0x2b: {  	[tilespmem:s0+$0x4240] =	vst v0  }
0x2c: {  	[tilespmem:s0+$0x4250] =	vst v0  }
0x2d: {  	[tilespmem:s0+$0x4260] =	vst v0  }
0x2e: {  	[spmem:s9] =	stream.linear.scatter [tilespmem:s23], [sflag:$0x5], $0x4000, $0x38;
	[tilespmem:$0x1C200] =	vst v63  }
0x2f: {  	_ =	swait.ge [sflag:s24], $0x4000  }
0x30: {  	[sflag:s24] =	ssyncset.done $0x0  }
0x31: {  	[sflag:s24] =	ssyncadd.s32 $0xFFFFC000  }
0x32: {  	[spmem:s12] =	stream.linear.scatter [tilespmem:s23], [sflag:$0x5], $0x4000, $0x38;
	[tilespmem:$0x1C200] =	vst v63  }
0x33: {  	_ =	swait.ge [sflag:s24], $0x4000  }
0x34: {  	[sflag:s24] =	ssyncset.done $0x0  }
0x35: {  	[sflag:s24] =	ssyncadd.s32 $0xFFFFC000  }
0x36: {  	[spmem:s13] =	stream.linear.scatter [tilespmem:s23], [sflag:$0x5], $0x4000, $0x38;
	[tilespmem:$0x1C200] =	vst v63  }
0x37: {  	_ =	swait.ge [sflag:s24], $0x4000  }
0x38: {  	[sflag:s24] =	ssyncset.done $0x0  }
0x39: {  	[sflag:s24] =	ssyncadd.s32 $0xFFFFC000  }
0x3a: {  	[spmem:s14] =	stream.linear.scatter [tilespmem:s23], [sflag:$0x5], $0x4000, $0x38;
	[tilespmem:$0x1C200] =	vst v63  }
0x3b: {  	_ =	swait.ge [sflag:s24], $0x4000  }
0x3c: {  	[sflag:s24] =	ssyncset.done $0x0  }
0x3d: {  	[sflag:s24] =	ssyncadd.s32 $0xFFFFC000  }
0x3e: {  	[spmem:s15] =	stream.linear.scatter [tilespmem:s23], [sflag:$0x5], $0x4000, $0x38;
	[tilespmem:$0x1C200] =	vst v63  }
0x3f: {  	_ =	swait.ge [sflag:s24], $0x4000  }
0x40: {  	[sflag:s24] =	ssyncset.done $0x0  }
0x41: {  	[sflag:s24] =	ssyncadd.s32 $0xFFFFC000  }
0x42: {  	_ =	swait.ge [sflag:s25], $0x80  }
0x43: {  	[sflag:s25] =	ssyncset.done $0x0  }
0x44: {  	[sflag:s25] =	ssyncadd.s32 $0xFFFFFF80  }
0x45: {  	_ =	swait.ge [sflag:s25], $0x80  }
0x46: {  	[sflag:s25] =	ssyncset.done $0x0  }
0x47: {  	[sflag:s25] =	ssyncadd.s32 $0xFFFFFF80  }
0x48: {  	s2 =	simm.s32 $0x0;
	[bflag:$0x0] =	sbarrier.arrive $0xFFFF  }
0x49: {  	[tilespmem:s26], [sflag:$0x3] =	stream.indirect.gather [hbm4b:s1+s20], $0x80, s2, s20, $0xb8;
	[tilespmem:$0x1C200] =	vst v63  }
0x4a: {  	_ =	swait.ge [sflag:s28], $0x80  }
0x4b: {  	[sflag:s28] =	ssyncset.done $0x0  }
0x4c: {  	[sflag:s28] =	ssyncadd.s32 $0xFFFFFF80  }
0x4d: {  	_ =	swait.ge [sflag:s28], $0x80  }
0x4e: {  	[sflag:s28] =	ssyncset.done $0x0  }
0x4f: {  	[sflag:s28] =	ssyncadd.s32 $0xFFFFFF80  }
0x50: {  	_ =	swait.ge [sflag:s29], $0x4000  }
0x51: {  	[sflag:s29] =	ssyncset.done $0x0  }
0x52: {  	[sflag:s29] =	ssyncadd.s32 $0xFFFFC000  }
0x53: {  	[tilespmem:s23], [sflag:$0x4] =	stream.indirect.gather [hbm4b:s1+s20], $0x80, s21, s20, $0xb8;
	[tilespmem:$0x1C200] =	vst v63  }
0x54: {  	_ = 	snop  }
0x55: {  	[spmem:s3] =	stream.indirect.scatter.add.f32 [tilespmem:s26], [sflag:$0x5], $0x80, s20, s20, $0xb8;
	[tilespmem:$0x1C200] =	vst v63  }
0x56: {  	_ =	swait.ge [sflag:s24], $0x4000  }
0x57: {  	[sflag:s24] =	ssyncset.done $0x0  }
0x58: {  	s5 =	sadd.s32 $0x0, s19;
	[sflag:s24] =	ssyncadd.s32 $0xFFFFC000  }
0x59: {  	[tilespmem:s4], [sflag:$0x1] =	stream.linear.gather [hbm4b:s5+s4], $0x80, $0x38;
	[tilespmem:$0x1C200] =	vst v63  }
0x5a: {  	s2 =	sadd.s32 $0x0, s18  }
0x5b: {  	[tilespmem:s20], [sflag:$0x1] =	stream.linear.gather [hbm4b:s2+s4], $0x80, $0x38;
	[tilespmem:$0x1C200] =	vst v63  }
0x5c: {  	_ =	swait.ge [sflag:s30], $0x4000  }
0x5d: {  	[sflag:s30] =	ssyncset.done $0x0  }
0x5e: {  	[sflag:s30] =	ssyncadd.s32 $0xFFFFC000  }
0x5f: {  	_ =	swait.ge [sflag:s25], $0x80  }
0x60: {  	[sflag:s25] =	ssyncset.done $0x0  }
0x61: {  	[sflag:s25] =	ssyncadd.s32 $0xFFFFFF80  }
0x62: {  	_ =	swait.ge [sflag:s25], $0x80  }
0x63: {  	[sflag:s25] =	ssyncset.done $0x0  }
0x64: {  	[sflag:s25] =	ssyncadd.s32 $0xFFFFFF80  }
0x65: {  	[tilespmem:s26], [sflag:$0x3] =	stream.indirect.gather [hbm4b:s1+s20], $0x80, s4, s20, $0xb8;
	[tilespmem:$0x1C200] =	vst v63  }
0x66: {  	_ = 	snop  }
0x67: {  	[spmem:s3] =	stream.indirect.scatter.add.f32 [tilespmem:s23], [sflag:$0x5], $0x80, s22, s20, $0xb8;
	[tilespmem:$0x1C200] =	vst v63  }
0x68: {  	_ =	swait.ge [sflag:s24], $0x4000  }
0x69: {  	s0 =	simm.s32 $0x20;
	[sflag:s24] =	ssyncset.done $0x0  }
0x6a: {  	s5 =	sadd.s32 $0x0, s17;
	s2 =	sadd.s32 $0x0, s16;
	[sflag:s24] =	ssyncadd.s32 $0xFFFFC000  }
0x6b: {  	[tilespmem:s21], [sflag:$0x2] =	stream.linear.gather [hbm4b:s5+s4], $0x80, $0x38;
	[tilespmem:$0x1C200] =	vst v63  }
.LBB2_4:
0x6c: {  	[tilespmem:s22], [sflag:$0x2] =	stream.linear.gather [hbm4b:s2+s4], $0x80, $0x38;
	[tilespmem:$0x1C200] =	vst v63  }
0x6d: {  	s2 =	smov.u32 s0  }
0x6e: {  	p0 =	sne.s32 s0, $0x4C0;
	s0 =	sadd.s32 $0x20, s0;
	_ =	swait.ge [sflag:s28], $0x80  }
0x6f: {  	[sflag:s28] =	ssyncset.done $0x0  }
0x70: {  	[sflag:s28] =	ssyncadd.s32 $0xFFFFFF80  }
0x71: {  	_ =	swait.ge [sflag:s28], $0x80  }
0x72: {  	[sflag:s28] =	ssyncset.done $0x0  }
0x73: {  	[sflag:s28] =	ssyncadd.s32 $0xFFFFFF80  }
0x74: {  	_ =	swait.ge [sflag:s29], $0x4000  }
0x75: {  	[sflag:s29] =	ssyncset.done $0x0  }
0x76: {  	[sflag:s29] =	ssyncadd.s32 $0xFFFFC000  }
0x77: {  	[tilespmem:s23], [sflag:$0x4] =	stream.indirect.gather [hbm4b:s1+s20], $0x80, s21, s20, $0xb8;
	[tilespmem:$0x1C200] =	vst v63  }
0x78: {  	_ = 	snop  }
0x79: {  	[spmem:s3] =	stream.indirect.scatter.add.f32 [tilespmem:s26], [sflag:$0x5], $0x80, s20, s20, $0xb8;
	[tilespmem:$0x1C200] =	vst v63  }
0x7a: {  	_ =	swait.ge [sflag:s24], $0x4000  }
0x7b: {  	[sflag:s24] =	ssyncset.done $0x0  }
0x7c: {  	s5 =	sadd.s32 s2, s19;
	[sflag:s24] =	ssyncadd.s32 $0xFFFFC000  }
0x7d: {  	[tilespmem:s4], [sflag:$0x1] =	stream.linear.gather [hbm4b:s5+s4], $0x80, $0x38;
	[tilespmem:$0x1C200] =	vst v63  }
0x7e: {  	s5 =	sadd.s32 s2, s18  }
0x7f: {  	[tilespmem:s20], [sflag:$0x1] =	stream.linear.gather [hbm4b:s5+s4], $0x80, $0x38;
	[tilespmem:$0x1C200] =	vst v63  }
0x80: {  	_ =	swait.ge [sflag:s30], $0x4000  }
0x81: {  	[sflag:s30] =	ssyncset.done $0x0  }
0x82: {  	[sflag:s30] =	ssyncadd.s32 $0xFFFFC000  }
0x83: {  	_ =	swait.ge [sflag:s25], $0x80  }
0x84: {  	[sflag:s25] =	ssyncset.done $0x0  }
0x85: {  	[sflag:s25] =	ssyncadd.s32 $0xFFFFFF80  }
0x86: {  	_ =	swait.ge [sflag:s25], $0x80  }
0x87: {  	[sflag:s25] =	ssyncset.done $0x0  }
0x88: {  	[sflag:s25] =	ssyncadd.s32 $0xFFFFFF80  }
0x89: {  	[tilespmem:s26], [sflag:$0x3] =	stream.indirect.gather [hbm4b:s1+s20], $0x80, s4, s20, $0xb8;
	[tilespmem:$0x1C200] =	vst v63  }
0x8a: {  	_ = 	snop  }
0x8b: {  	[spmem:s3] =	stream.indirect.scatter.add.f32 [tilespmem:s23], [sflag:$0x5], $0x80, s22, s20, $0xb8;
	[tilespmem:$0x1C200] =	vst v63  }
.Ltmp1:
0x8c: {  	_ =	swait.ge [sflag:s24], $0x4000;
	(pc) =	sbr.rel @p0 .LBB2_4-.Ltmp1, $4  }
0x8d: {  	[sflag:s24] =	ssyncset.done $0x0  }
0x8e: {  	s5 =	sadd.s32 s2, s17;
	[sflag:s24] =	ssyncadd.s32 $0xFFFFC000  }
0x8f: {  	[tilespmem:s21], [sflag:$0x2] =	stream.linear.gather [hbm4b:s5+s4], $0x80, $0x38;
	[tilespmem:$0x1C200] =	vst v63  }
0x90: {  	s2 =	sadd.s32 s2, s16  }
0x91: {  	[tilespmem:s22], [sflag:$0x2] =	stream.linear.gather [hbm4b:s2+s4], $0x80, $0x38;
	[tilespmem:$0x1C200] =	vst v63  }
0x92: {  	_ =	swait.ge [sflag:s28], $0x80  }
0x93: {  	[sflag:s28] =	ssyncset.done $0x0  }
0x94: {  	[sflag:s28] =	ssyncadd.s32 $0xFFFFFF80  }
0x95: {  	_ =	swait.ge [sflag:s28], $0x80  }
0x96: {  	[sflag:s28] =	ssyncset.done $0x0  }
0x97: {  	[sflag:s28] =	ssyncadd.s32 $0xFFFFFF80  }
0x98: {  	_ =	swait.ge [sflag:s29], $0x4000  }
0x99: {  	[sflag:s29] =	ssyncset.done $0x0  }
0x9a: {  	[sflag:s29] =	ssyncadd.s32 $0xFFFFC000  }
0x9b: {  	[tilespmem:s23], [sflag:$0x4] =	stream.indirect.gather [hbm4b:s1+s20], $0x80, s21, s20, $0xb8;
	[tilespmem:$0x1C200] =	vst v63  }
0x9c: {  	_ = 	snop  }
0x9d: {  	[spmem:s3] =	stream.indirect.scatter.add.f32 [tilespmem:s26], [sflag:$0x5], $0x80, s20, s20, $0xb8;
	[tilespmem:$0x1C200] =	vst v63  }
0x9e: {  	_ =	swait.ge [sflag:s24], $0x4000  }
0x9f: {  	[sflag:s24] =	ssyncset.done $0x0  }
0xa0: {  	[sflag:s24] =	ssyncadd.s32 $0xFFFFC000  }
0xa1: {  	_ =	swait.ge [sflag:s30], $0x4000  }
0xa2: {  	[sflag:s30] =	ssyncset.done $0x0  }
0xa3: {  	[sflag:s30] =	ssyncadd.s32 $0xFFFFC000  }
0xa4: {  	[spmem:s3] =	stream.indirect.scatter.add.f32 [tilespmem:s23], [sflag:$0x5], $0x80, s22, s20, $0xb8;
	[tilespmem:$0x1C200] =	vst v63  }
0xa5: {  	s0 =	stileid.u32;
	_ =	swait.ge [sflag:s24], $0x4000  }
0xa6: {  	s5 =	sshrl.u32 s9, $0x3;
	s31 =	sadd.s32 $0x1, s31;
	[sflag:s24] =	ssyncset.done $0x0  }
0xa7: {  	s0 =	sshll.u32 s0, $0x6;
	p0 =	sne.s32 s31, s11;
	[sflag:s24] =	ssyncadd.s32 $0xFFFFC000  }
.Ltmp2:
0xa8: {  	s0 =	sor.u32 $0x1C05, s0;
	[bflag:$0x0] =	sbarrier.arrive $0xFFFF;
	(pc) =	sbr.rel @p0 .LBB2_1-.Ltmp2, $4  }
0xa9: {  	[hbm:s10], [sflag:s0] =	dma.local [spmem:s5], $0x2800  }
0xaa: {  	_ =	swait.ge [sflag:s24], $0x2800  }
0xab: {  	[sflag:s24] =	ssyncset.done $0x0  }
0xac: {  	[sflag:s24] =	ssyncadd.s32 $0xFFFFD800  }
0xad: {  	_ =	sfence.sel $0x180000  }
0xae: {  	[bflag:$0x0] =	sbarrier.arrive $0xFFFF  }
0xaf: {  	_ =	strace $0x90000047  }
0xb0: {  	s0 =	stileid.u32;
	[bflag:$0x2] =	sbarrier.arrive $0xFFFF  }
0xb1: {  	p0 =	sne.s32 s0, $0x0;
	s0 =	rddreg [dreg:$0x3]  }
0xb2: {  	s0 =	sadd.s32 @!p0 $0x100000, s0  }
0xb3: {  	[sflag:s0] =	ssyncadd.tile.s32 @!p0 $0x1;
	_ =	shalt  }
.Lfunc_end2:
_tile_overlayer_lowered:
.L_overlay_start_2:
0xb4: {  	(tag) =	ssettag $0x2  }
0xb5: {  	s0 =	rddreg [dreg:$0x0];
	s2 =	stileid.u32  }
0xb6: {  	s1 =	rddreg [dreg:$0x1];
	p0 =	sne.s32 s2, $0x0  }
0xb7: {  	s3 =	rddreg [dreg:$0x2];
	[bflag:$0x3] =	sbarrier.arrive $0xFFFF;
	s2 =	simm.s32 @!p0 $0x1C05  }
0xb8: {  	[timem:s3], [sflag:s2] =	dma.local @!p0 [hbm:s0], s1  }
0xb9: {  	s0 =	simm.s32 @!p0 $0x5  }
0xba: {  	_ =	swait.ge @!p0 [sflag:s0], s1  }
0xbb: {  	s1 =	ssub.s32 @!p0 $0x0, s1;
	[sflag:s0] =	ssyncset.done @!p0 $0x0  }
0xbc: {  	[sflag:s0] =	ssyncadd.s32 @!p0 s1  }
0xbd: {  	[bflag:$0x3] =	sbarrier.arrive $0xFFFF  }
0xbe: {  	_ =	shalt  }

// kernel: kernel.9.cloned.1.call-start
scs
__scs_entry_jumppad:
0x0: {  	(pc) =	sbr.rel $0x88, $3  }
0x1: {  	(tag) =	ssettag $0x0;
	lr =	simm.s32 $0x1  }
0x2: {  	[smem:$0x3F8A] =	sst lr;
	_ =	strace $0xD0000000  }
0x3: {  	_ = 	snop  }
0x4: {  	_ = 	snop  }
0x5: {  	_ = 	snop  }
0x6: {  	_ = 	snop  }
0x7: {  	_ = 	snop  }
__scs_overlays_trampoline_lowered:
0x8: {  	[smem:$0x3F99] =	sst s0  }
0x9: {  	[smem:$0x3F9A] =	sst s1  }
0xa: {  	[smem:$0x3F9B] =	sst s2  }
0xb: {  	[smem:$0x3F9C] =	sst s3  }
0xc: {  	[smem:$0x3F9D] =	sst s4  }
0xd: {  	[smem:$0x3F9E] =	sst s5  }
0xe: {  	[smem:$0x3F9F] =	sst s6  }
0xf: {  	[smem:$0x3FA0] =	sst s7  }
0x10: {  	[smem:$0x3FA1] =	sst s8  }
0x11: {  	[smem:$0x3FA2] =	sst s9;
	s0 =	simm.s32 @!p0 $0x0  }
0x12: {  	s1 =	sld [smem:$0x3F88];
	s0 =	simm.s32 @p0 $0x1  }
0x13: {  	[smem:$0x3FA3] =	sst s0;
	s0 =	simm.s32 @!p1 $0x0  }
0x14: {  	s2 =	sld [smem:$0x3F87];
	s0 =	simm.s32 @p1 $0x1  }
0x15: {  	[smem:$0x3FA4] =	sst s0;
	s0 =	simm.s32 @!p2 $0x0  }
0x16: {  	s3 =	sld [smem:$0x3FDB];
	s0 =	simm.s32 @p2 $0x1  }
0x17: {  	s4 =	simm.s32 $0x1BF5;
	[smem:$0x3FA6] =	sst s0  }
0x18: {  	s0 =	sld [smem:$0x3F89];
	_ =	swait.ge [sflag:s4], $0x0  }
0x19: {  	s7 =	sld [smem:$0x3F8A]  }
0x1a: {  	s8 =	sadd.s32 $0xFFFFE003, lr  }
0x1b: {  	s9 =	sadd.s32 $0xFFFFFEF7, lr;
	s5 =	simm.s32 $0xFFFFFFFF;
	p2 =	slt.u32 s8, $0xFFFFF086  }
0x1c: {  	p1 =	slt.u32 s9, $0xF7A;
	s5 =	simm.s32 @!p2 $0x0  }
0x1d: {  	s5 =	simm.s32 @p1 $0x1;
	p0 =	seq.s32 s7, s2  }
0x1e: {  	s7 =	smul.u32 @!p0 $0xF7A, s2;
	p2 =	seq.s32 @!p0 s5, $0x0  }
0x1f: {  	s9 =	smul.u32 $0xF7A, s1;
	s8 =	simm.s32 @!p0 $0x1BF5;
	p2 =	por !p2, p0  }
0x20: {  	[sflag:s8] =	ssyncset.s32 @!p0 $0xFFFFF086;
	s6 =	sadd.s32 @!p0 s3, s7;
	s7 =	simm.s32 @!p0 $0x108  }
0x21: {  	s3 =	sadd.s32 s3, s9;
	s6 =	sadd.s32 @!p0 $0x88, s6;
	s7 =	simm.s32 @p2 $0x1082  }
0x22: {  	[simem:s7], [sflag:s8] =	dma.local @!p0 [hbm:s6], $0xF7A  }
0x23: {  	s9 =	sor.u32 $0xD0000000, s2;
	s6 =	simm.s32 $0x108;
	_ =	swait.ge @!p0 [sflag:s8], $0x0  }
0x24: {  	s3 =	sadd.s32 $0x88, s3;
	s6 =	simm.s32 @!p1 $0x1082;
	[sflag:s4] =	ssyncset.s32 $0xFFFFF086  }
0x25: {  	[simem:s6], [sflag:s4] =	dma.local [hbm:s3], $0xF7A  }
0x26: {  	[smem:$0x3F8A] =	sst s1;
	(tag) =	ssettag s2;
	_ =	strace s9  }
0x27: {  	s1 =	sld [smem:$0x3F9A]  }
0x28: {  	s2 =	sld [smem:$0x3F9B]  }
0x29: {  	s4 =	sld [smem:$0x3F9D]  }
0x2a: {  	p0 =	seq.s32 s5, $0x0;
	s5 =	sld [smem:$0x3F9E]  }
0x2b: {  	s6 =	sld [smem:$0x3F9F]  }
0x2c: {  	s7 =	sld [smem:$0x3FA0]  }
0x2d: {  	s3 =	simm.s32 $0x108;
	s8 =	sld [smem:$0x3FA1]  }
0x2e: {  	s3 =	simm.s32 @!p0 $0x1082;
	s9 =	sld [smem:$0x3FA2]  }
0x2f: {  	lr =	sadd.s32 s0, s3;
	s0 =	sld [smem:$0x3F99]  }
0x30: {  	s3 =	sld [smem:$0x3F9C]  }
0x31: {  	[smem:$0x3FA5] =	sst s10  }
0x32: {  	s10 =	sld [smem:$0x3FA3];
	_ =	sdelay $0x3  }
0x33: {  	p0 =	seq.s32 s10, $0x1;
	s10 =	sld [smem:$0x3FA5];
	_ =	sdelay $0x3  }
0x34: {  	[smem:$0x3FA5] =	sst s10  }
0x35: {  	s10 =	sld [smem:$0x3FA4];
	_ =	sdelay $0x3  }
0x36: {  	p1 =	seq.s32 s10, $0x1;
	s10 =	sld [smem:$0x3FA5];
	_ =	sdelay $0x3  }
0x37: {  	[smem:$0x3FA5] =	sst s10  }
0x38: {  	s10 =	sld [smem:$0x3FA6]  }
0x39: {  	_ = 	snop;
	(pc) =	sbr.ind lr, $3  }
0x3a: {  	_ = 	snop  }
0x3b: {  	_ = 	snop  }
0x3c: {  	p2 =	seq.s32 s10, $0x1;
	s10 =	sld [smem:$0x3FA5]  }
0x3d: {  	_ =	shalt  }
0x3e: {  	_ =	shalt  }
0x3f: {  	_ =	shalt  }
0x40: {  	_ =	shalt  }
0x41: {  	_ =	shalt  }
0x42: {  	_ =	shalt  }
0x43: {  	_ =	shalt  }
0x44: {  	_ =	shalt  }
0x45: {  	_ =	shalt  }
0x46: {  	_ =	shalt  }
0x47: {  	_ =	shalt  }
0x48: {  	_ =	shalt  }
0x49: {  	_ =	shalt  }
0x4a: {  	_ =	shalt  }
0x4b: {  	_ =	shalt  }
0x4c: {  	_ =	shalt  }
0x4d: {  	_ =	shalt  }
0x4e: {  	_ =	shalt  }
0x4f: {  	_ =	shalt  }
0x50: {  	_ =	shalt  }
0x51: {  	_ =	shalt  }
0x52: {  	_ =	shalt  }
0x53: {  	_ =	shalt  }
0x54: {  	_ =	shalt  }
0x55: {  	_ =	shalt  }
0x56: {  	_ =	shalt  }
0x57: {  	_ =	shalt  }
0x58: {  	_ =	shalt  }
0x59: {  	_ =	shalt  }
0x5a: {  	_ =	shalt  }
0x5b: {  	_ =	shalt  }
0x5c: {  	_ =	shalt  }
0x5d: {  	_ =	shalt  }
0x5e: {  	_ =	shalt  }
0x5f: {  	_ =	shalt  }
0x60: {  	_ =	shalt  }
0x61: {  	_ =	shalt  }
0x62: {  	_ =	shalt  }
0x63: {  	_ =	shalt  }
0x64: {  	_ =	shalt  }
0x65: {  	_ =	shalt  }
0x66: {  	_ =	shalt  }
0x67: {  	_ =	shalt  }
0x68: {  	_ =	shalt  }
0x69: {  	_ =	shalt  }
0x6a: {  	_ =	shalt  }
0x6b: {  	_ =	shalt  }
0x6c: {  	_ =	shalt  }
0x6d: {  	_ =	shalt  }
0x6e: {  	_ =	shalt  }
0x6f: {  	_ =	shalt  }
0x70: {  	_ =	shalt  }
0x71: {  	_ =	shalt  }
0x72: {  	_ =	shalt  }
0x73: {  	_ =	shalt  }
0x74: {  	_ =	shalt  }
0x75: {  	_ =	shalt  }
0x76: {  	_ =	shalt  }
0x77: {  	_ =	shalt  }
0x78: {  	_ =	shalt  }
0x79: {  	_ =	shalt  }
0x7a: {  	_ =	shalt  }
0x7b: {  	_ =	shalt  }
0x7c: {  	_ =	shalt  }
0x7d: {  	_ =	shalt  }
0x7e: {  	_ =	shalt  }
0x7f: {  	_ =	shalt  }
0x80: {  	_ =	shalt  }
0x81: {  	_ =	shalt  }
0x82: {  	_ =	shalt  }
0x83: {  	_ =	shalt  }
0x84: {  	_ =	shalt  }
0x85: {  	_ =	shalt  }
0x86: {  	_ =	shalt  }
0x87: {  	_ =	shalt  }
.Lfunc_end0:
.L_simem_size_0:
called_computation.1_lowered:
.L_overlay_start_0:
0x88: {  	s2 =	sld [smem:$0x3FD9]  }
0x89: {  	s3 =	sld [smem:$0x3FFE];
	_ =	sdelay $0x1  }
0x8a: {  	s1 =	srdreg.scid  }
0x8b: {  	s0 =	sand.u32 $0x1, s1  }
0x8c: {  	s16 =	sshll.u32 s0, $0xA;
	s2 =	sadd.s32 s3, s2  }
0x8d: {  	s2 =	sadd.s32 s2, s16  }
0x8e: {  	[smem:$0x3FB1] =	sst s2  }
0x8f: {  	_ = 	snop  }
0x90: {  	(tm) =	ssettm $0x1  }
0x91: {  	s17 =	sld [smem:$0x3FFB];
	_ =	sdelay $0x3  }
0x92: {  	_ =	strace s17  }
0x93: {  	s2 =	sld [smem:$0x3FFC];
	_ =	sdelay $0x3  }
0x94: {  	_ =	strace s2  }
0x95: {  	s2 =	sld [smem:$0x3FFD];
	_ =	sdelay $0x3  }
0x96: {  	_ =	strace s2  }
0x97: {  	_ =	strace $0x8FFFFFFF  }
0x98: {  	s18 =	sld [smem:$0x3FDB];
	_ =	sdelay $0x1  }
0x99: {  	s19 =	simm.s32 $_scs_section_size  }
0x9a: {  	s4 =	simm.s32 $_size__tile_overlayer_lowered;
	s5 =	simm.s32 $_tile_overlayer_lowered  }
0x9b: {  	s22 =	simm.s32 $0x1BFF;
	s21 =	sshll.u32 s5, $0x1;
	s2 =	sadd.s32 s19, s18  }
0x9c: {  	s6 =	simm.s32 $0x0;
	s20 =	sshll.u32 s4, $0x1;
	s4 =	sadd.s32 s21, s2  }
0x9d: {  	[timem:s6], [sflag:s22] =	dma.local [hbm:s4], s20  }
0x9e: {  	_ =	swait.ge [sflag:s22], s20  }
0x9f: {  	s3 =	ssub.s32 $0x0, s20;
	[sflag:s22] =	ssyncset.done $0x0  }
0xa0: {  	[sflag:s22] =	ssyncadd.s32 s3;
	_ =	sdelay $0x1  }
0xa1: {  	s23 =	simm.s32 $0x1B8B  }
0xa2: {  	_ =	swait.ge [sflag:s23], $0x1  }
0xa3: {  	[sflag:s23] =	ssyncset.done $0x0  }
0xa4: {  	s25 =	simm.s32 $0x1B8E;
	s24 =	sld [smem:$0x3FFE];
	[sflag:s23] =	ssyncadd.s32 $0xFFFFFFFF  }
0xa5: {  	s26 =	simm.s32 $execute0_lowered;
	[smem:$0x3FD2] =	sst s25  }
0xa6: {  	s4 =	sshll.u32 s26, $0x1;
	_ =	strace $0x80000049;
	[dreg:$0x1] =	wrdreg $0xFFFFFFFF  }
0xa7: {  	s28 =	simm.s32 $_size_execute0_lowered;
	s2 =	sadd.s32 s2, s4;
	[dreg:$0x0] =	wrdreg $0x0  }
0xa8: {  	s4 =	sshll.u32 s28, $0x1;
	[dreg:$0x2] =	wrdreg s2  }
0xa9: {  	[dreg:$0x3] =	wrdreg s4  }
0xaa: {  	[dreg:$0x4] =	wrdreg $0xC0  }
0xab: {  	_ =	task [dreg:s6], $0x5FFFF  }
0xac: {  	[dreg:$0x1] =	wrdreg $0xFFFFFFFF  }
0xad: {  	[dreg:$0x0] =	wrdreg $0x60  }
0xae: {  	[dreg:$0x2] =	wrdreg s24  }
0xaf: {  	[dreg:$0x3] =	wrdreg $0x82000  }
0xb0: {  	[dreg:$0x4] =	wrdreg $0x9  }
0xb1: {  	_ =	task.clear_ibuf [dreg:s6], $0x5FFFF;
	_ =	strace $0x90000049  }
0xb2: {  	s29 =	simm.s32 $0x9;
	_ =	strace $0x8000004B  }
0xb3: {  	_ =	swait.ge [sflag:s29], $0x1  }
0xb4: {  	[sflag:s29] =	ssyncadd.s32 $0xFFFFFFFF  }
0xb5: {  	_ =	strace $0x9000004B  }
0xb6: {  	_ =	sfence  }
0xb7: {  	s30 =	sld [smem:$0x0];
	_ =	sdelay $0x2  }
0xb8: {  	s31 =	sshll.u32 s1, $0xD;
	s1 =	sshrl.u32 s1, $0x2  }
0xb9: {  	s3 =	sand.u32 $0x4000, s31;
	s1 =	sadd.s32 s1, s30  }
0xba: {  	s0 =	sor.u32 s3, s0;
	s1 =	sshll.u32 s1, $0x11  }
0xbb: {  	s0 =	sor.u32 s1, s0  }
0xbc: {  	s0 =	sadd.s32 $0x8F2B, s0  }
0xbd: {  	[sflag:s0] =	ssyncadd.remote.s32 $0x1  }
0xbe: {  	_ =	sfence.sel $0xFFFF  }
0xbf: {  	[dreg:$0x0] =	wrdreg $0xFFFFFFFF;
	(pc) =	sbr.abs _section_cstart, $3  }
0xc0: {  	[dreg:$0x1] =	wrdreg $0xFFFFFFFF  }
0xc1: {  	_ =	task.clear_ibuf [dreg:s6], $0x2FFFF;
	_ =	strace $0x9FFFFFFF  }
0xc2: {  	(tm) =	ssettm $0x7FFFFFFF  }
0xc3: {  	_ =	shalt  }
tec
execute0_lowered:
.L_overlay_start_1:
0x0: {  	(tag) =	ssettag $0x1  }
0x1: {  	s0 =	rddreg [dreg:$0x0]  }
0x2: {  	s1 =	rddreg [dreg:$0x1]  }
0x3: {  	s3 =	simm.s32 $0x0;
	s2 =	srdreg.scid;
	s10 =	stileid.u32  }
0x4: {  	s20 =	simm.s32 $0x80;
	s21 =	simm.s32 $0x100;
	s22 =	simm.s32 $0x180  }
0x5: {  	s28 =	simm.s32 $0x2;
	s29 =	simm.s32 $0x3;
	s30 =	simm.s32 $0x4  }
0x6: {  	s31 =	simm.s32 $0x0;
	[smem:$0x7FF] =	sst s3;
	s7 =	smul.u32 $0x2800, s10  }
0x7: {  	s2 =	sand.u32 $0x1, s2;
	s6 =	sshll.u32 s10, $0x1;
	s9 =	smul.u32 $0x50000, s10  }
0x8: {  	s4 =	sadd.s32 $0x17A00, s0;
	s19 =	sadd.s32 $0x3A00, s0;
	s14 =	smul.u32 $0x5000, s10  }
0x9: {  	s18 =	sadd.s32 $0xDA00, s0;
	_ =	strace $0x8000004A;
	s5 =	smul.u32 $0x28000, s2  }
0xa: {  	s6 =	sor.u32 s2, s6;
	s8 =	ssub.s32 $0x2, s2;
	s2 =	smul.u32 $0x2800, s2  }
0xb: {  	s6 =	smul.u32 $0x2800, s6;
	s23 =	sshrl.u32 s8, $0x1;
	s9 =	sshrl.u32 s9, $0x2  }
0xc: {  	s5 =	sadd.s32 s7, s5;
	s11 =	ssub.s32 s8, s23;
	s9 =	sadd.s32 s9, s1  }
0xd: {  	s26 =	sadd.s32 s2, s14;
	s23 =	simm.s32 $0x4200;
	s0 =	sadd.s32 s5, s0  }
0xe: {  	s6 =	sshrl.u32 s6, $0x3;
	s11 =	smax.u32 s11, $0x1;
	s12 =	sadd.s32 $0x4000, s9  }
0xf: {  	s13 =	sadd.s32 $0x8000, s9;
	s14 =	sadd.s32 $0xC000, s9;
	s2 =	sor.u32 $0x180, s26  }
0x10: {  	s15 =	sadd.s32 $0x10000, s9;
	s24 =	sadd.s32 s19, s6;
	s25 =	sor.u32 $0x10, s6  }
0x11: {  	s6 =	sadd.s32 s18, s6;
	s10 =	sadd.s32 $0x3EC00, s0;
	s0 =	sor.u32 $0x100, s26  }
0x12: {  	s2 =	sshrl.u32 s2, $0x3;
	s26 =	simm.s32 $0x200;
	[dreg:$0x3] =	wrdreg s24  }
0x13: {  	s7 =	sadd.s32 s19, s25;
	s8 =	sadd.s32 s18, s25;
	s0 =	sshrl.u32 s0, $0x3  }
0x14: {  	s16 =	sadd.s32 s2, s18;
	s17 =	sadd.s32 s2, s19;
	s24 =	simm.s32 $0x5  }
0x15: {  	v0 =	vimm.f32 $0.0e+00;
	s25 =	simm.s32 $0x1;
	s18 =	sadd.s32 s0, s18;
	s19 =	sadd.s32 s0, s19  }
.LBB2_1:
0x16: {  	s0 =	rddreg [dreg:$0x3]  }
0x17: {  	[tilespmem:s3], [sflag:$0x1] =	stream.linear.gather [hbm4b:s0+s3], $0x80, $0x38;
	[tilespmem:$0x1C200] =	vst v63  }
0x18: {  	_ = 	snop  }
0x19: {  	[tilespmem:s20], [sflag:$0x1] =	stream.linear.gather [hbm4b:s6+s3], $0x80, $0x38;
	[tilespmem:$0x1C200] =	vst v63  }
0x1a: {  	_ = 	snop  }
0x1b: {  	[tilespmem:s21], [sflag:$0x2] =	stream.linear.gather [hbm4b:s7+s3], $0x80, $0x38;
	[tilespmem:$0x1C200] =	vst v63  }
0x1c: {  	s2 =	simm.s32 $0x200;
	s0 =	simm.s32 $0x0  }
0x1d: {  	[tilespmem:s22], [sflag:$0x2] =	stream.linear.gather [hbm4b:s8+s3], $0x80, $0x38;
	[tilespmem:$0x1C200] =	vst v63  }
.LBB2_2:
0x1e: {  	p0 =	sne.s32 s2, $0xFE00;
	[tilespmem:s0+$0x4270] =	vst v0  }
0x1f: {  	[tilespmem:s0+$0x4200] =	vst v0  }
0x20: {  	[tilespmem:s0+$0x4210] =	vst v0  }
.Ltmp0:
0x21: {  	[tilespmem:s0+$0x4220] =	vst v0;
	(pc) =	sbr.rel @p0 .LBB2_2-.Ltmp0, $4  }
0x22: {  	[tilespmem:s0+$0x4230] =	vst v0  }
0x23: {  	[tilespmem:s0+$0x4240] =	vst v0  }
0x24: {  	[tilespmem:s0+$0x4250] =	vst v0  }
0x25: {  	[tilespmem:s0+$0x4260] =	vst v0;
	s0 =	sshra.s32 s2, $0x2;
	s2 =	sadd.s32 $0x200, s2  }
0x26: {  	[tilespmem:s0+$0x4270] =	vst v0  }
0x27: {  	[tilespmem:s0+$0x4200] =	vst v0  }
0x28: {  	[tilespmem:s0+$0x4210] =	vst v0  }
0x29: {  	[tilespmem:s0+$0x4220] =	vst v0  }
0x2a: {  	[tilespmem:s0+$0x4230] =	vst v0  }
0x2b: {  	[tilespmem:s0+$0x4240] =	vst v0  }
0x2c: {  	[tilespmem:s0+$0x4250] =	vst v0  }
0x2d: {  	[tilespmem:s0+$0x4260] =	vst v0  }
0x2e: {  	[spmem:s9] =	stream.linear.scatter [tilespmem:s23], [sflag:$0x5], $0x4000, $0x38;
	[tilespmem:$0x1C200] =	vst v63  }
0x2f: {  	_ =	swait.ge [sflag:s24], $0x4000  }
0x30: {  	[sflag:s24] =	ssyncset.done $0x0  }
0x31: {  	[sflag:s24] =	ssyncadd.s32 $0xFFFFC000  }
0x32: {  	[spmem:s12] =	stream.linear.scatter [tilespmem:s23], [sflag:$0x5], $0x4000, $0x38;
	[tilespmem:$0x1C200] =	vst v63  }
0x33: {  	_ =	swait.ge [sflag:s24], $0x4000  }
0x34: {  	[sflag:s24] =	ssyncset.done $0x0  }
0x35: {  	[sflag:s24] =	ssyncadd.s32 $0xFFFFC000  }
0x36: {  	[spmem:s13] =	stream.linear.scatter [tilespmem:s23], [sflag:$0x5], $0x4000, $0x38;
	[tilespmem:$0x1C200] =	vst v63  }
0x37: {  	_ =	swait.ge [sflag:s24], $0x4000  }
0x38: {  	[sflag:s24] =	ssyncset.done $0x0  }
0x39: {  	[sflag:s24] =	ssyncadd.s32 $0xFFFFC000  }
0x3a: {  	[spmem:s14] =	stream.linear.scatter [tilespmem:s23], [sflag:$0x5], $0x4000, $0x38;
	[tilespmem:$0x1C200] =	vst v63  }
0x3b: {  	_ =	swait.ge [sflag:s24], $0x4000  }
0x3c: {  	[sflag:s24] =	ssyncset.done $0x0  }
0x3d: {  	[sflag:s24] =	ssyncadd.s32 $0xFFFFC000  }
0x3e: {  	[spmem:s15] =	stream.linear.scatter [tilespmem:s23], [sflag:$0x5], $0x4000, $0x38;
	[tilespmem:$0x1C200] =	vst v63  }
0x3f: {  	_ =	swait.ge [sflag:s24], $0x4000  }
0x40: {  	[sflag:s24] =	ssyncset.done $0x0  }
0x41: {  	[sflag:s24] =	ssyncadd.s32 $0xFFFFC000  }
0x42: {  	_ =	swait.ge [sflag:s25], $0x80  }
0x43: {  	[sflag:s25] =	ssyncset.done $0x0  }
0x44: {  	[sflag:s25] =	ssyncadd.s32 $0xFFFFFF80  }
0x45: {  	_ =	swait.ge [sflag:s25], $0x80  }
0x46: {  	[sflag:s25] =	ssyncset.done $0x0  }
0x47: {  	[sflag:s25] =	ssyncadd.s32 $0xFFFFFF80  }
0x48: {  	s2 =	simm.s32 $0x0;
	[bflag:$0x0] =	sbarrier.arrive $0xFFFF  }
0x49: {  	[tilespmem:s26], [sflag:$0x3] =	stream.indirect.gather [hbm4b:s4+s20], $0x80, s2, s20, $0xb8;
	[tilespmem:$0x1C200] =	vst v63  }
0x4a: {  	_ =	swait.ge [sflag:s28], $0x80  }
0x4b: {  	[sflag:s28] =	ssyncset.done $0x0  }
0x4c: {  	[sflag:s28] =	ssyncadd.s32 $0xFFFFFF80  }
0x4d: {  	_ =	swait.ge [sflag:s28], $0x80  }
0x4e: {  	[sflag:s28] =	ssyncset.done $0x0  }
0x4f: {  	[sflag:s28] =	ssyncadd.s32 $0xFFFFFF80  }
0x50: {  	_ =	swait.ge [sflag:s29], $0x4000  }
0x51: {  	[sflag:s29] =	ssyncset.done $0x0  }
0x52: {  	[sflag:s29] =	ssyncadd.s32 $0xFFFFC000  }
0x53: {  	[tilespmem:s23], [sflag:$0x4] =	stream.indirect.gather [hbm4b:s4+s20], $0x80, s21, s20, $0xb8;
	[tilespmem:$0x1C200] =	vst v63  }
0x54: {  	_ = 	snop  }
0x55: {  	[spmem:s1] =	stream.indirect.scatter.add.f32 [tilespmem:s26], [sflag:$0x5], $0x80, s20, s20, $0xb8;
	[tilespmem:$0x1C200] =	vst v63  }
0x56: {  	_ =	swait.ge [sflag:s24], $0x4000  }
0x57: {  	[sflag:s24] =	ssyncset.done $0x0  }
0x58: {  	s5 =	sadd.s32 $0x0, s19;
	[sflag:s24] =	ssyncadd.s32 $0xFFFFC000  }
0x59: {  	[tilespmem:s3], [sflag:$0x1] =	stream.linear.gather [hbm4b:s5+s3], $0x80, $0x38;
	[tilespmem:$0x1C200] =	vst v63  }
0x5a: {  	s2 =	sadd.s32 $0x0, s18  }
0x5b: {  	[tilespmem:s20], [sflag:$0x1] =	stream.linear.gather [hbm4b:s2+s3], $0x80, $0x38;
	[tilespmem:$0x1C200] =	vst v63  }
0x5c: {  	_ =	swait.ge [sflag:s30], $0x4000  }
0x5d: {  	[sflag:s30] =	ssyncset.done $0x0  }
0x5e: {  	[sflag:s30] =	ssyncadd.s32 $0xFFFFC000  }
0x5f: {  	_ =	swait.ge [sflag:s25], $0x80  }
0x60: {  	[sflag:s25] =	ssyncset.done $0x0  }
0x61: {  	[sflag:s25] =	ssyncadd.s32 $0xFFFFFF80  }
0x62: {  	_ =	swait.ge [sflag:s25], $0x80  }
0x63: {  	[sflag:s25] =	ssyncset.done $0x0  }
0x64: {  	[sflag:s25] =	ssyncadd.s32 $0xFFFFFF80  }
0x65: {  	[tilespmem:s26], [sflag:$0x3] =	stream.indirect.gather [hbm4b:s4+s20], $0x80, s3, s20, $0xb8;
	[tilespmem:$0x1C200] =	vst v63  }
0x66: {  	_ = 	snop  }
0x67: {  	[spmem:s1] =	stream.indirect.scatter.add.f32 [tilespmem:s23], [sflag:$0x5], $0x80, s22, s20, $0xb8;
	[tilespmem:$0x1C200] =	vst v63  }
0x68: {  	_ =	swait.ge [sflag:s24], $0x4000  }
0x69: {  	s0 =	simm.s32 $0x20;
	[sflag:s24] =	ssyncset.done $0x0  }
0x6a: {  	s5 =	sadd.s32 $0x0, s17;
	s2 =	sadd.s32 $0x0, s16;
	[sflag:s24] =	ssyncadd.s32 $0xFFFFC000  }
0x6b: {  	[tilespmem:s21], [sflag:$0x2] =	stream.linear.gather [hbm4b:s5+s3], $0x80, $0x38;
	[tilespmem:$0x1C200] =	vst v63  }
.LBB2_4:
0x6c: {  	[tilespmem:s22], [sflag:$0x2] =	stream.linear.gather [hbm4b:s2+s3], $0x80, $0x38;
	[tilespmem:$0x1C200] =	vst v63  }
0x6d: {  	s2 =	smov.u32 s0  }
0x6e: {  	p0 =	sne.s32 s0, $0x4C0;
	s0 =	sadd.s32 $0x20, s0;
	_ =	swait.ge [sflag:s28], $0x80  }
0x6f: {  	[sflag:s28] =	ssyncset.done $0x0  }
0x70: {  	[sflag:s28] =	ssyncadd.s32 $0xFFFFFF80  }
0x71: {  	_ =	swait.ge [sflag:s28], $0x80  }
0x72: {  	[sflag:s28] =	ssyncset.done $0x0  }
0x73: {  	[sflag:s28] =	ssyncadd.s32 $0xFFFFFF80  }
0x74: {  	_ =	swait.ge [sflag:s29], $0x4000  }
0x75: {  	[sflag:s29] =	ssyncset.done $0x0  }
0x76: {  	[sflag:s29] =	ssyncadd.s32 $0xFFFFC000  }
0x77: {  	[tilespmem:s23], [sflag:$0x4] =	stream.indirect.gather [hbm4b:s4+s20], $0x80, s21, s20, $0xb8;
	[tilespmem:$0x1C200] =	vst v63  }
0x78: {  	_ = 	snop  }
0x79: {  	[spmem:s1] =	stream.indirect.scatter.add.f32 [tilespmem:s26], [sflag:$0x5], $0x80, s20, s20, $0xb8;
	[tilespmem:$0x1C200] =	vst v63  }
0x7a: {  	_ =	swait.ge [sflag:s24], $0x4000  }
0x7b: {  	[sflag:s24] =	ssyncset.done $0x0  }
0x7c: {  	s5 =	sadd.s32 s2, s19;
	[sflag:s24] =	ssyncadd.s32 $0xFFFFC000  }
0x7d: {  	[tilespmem:s3], [sflag:$0x1] =	stream.linear.gather [hbm4b:s5+s3], $0x80, $0x38;
	[tilespmem:$0x1C200] =	vst v63  }
0x7e: {  	s5 =	sadd.s32 s2, s18  }
0x7f: {  	[tilespmem:s20], [sflag:$0x1] =	stream.linear.gather [hbm4b:s5+s3], $0x80, $0x38;
	[tilespmem:$0x1C200] =	vst v63  }
0x80: {  	_ =	swait.ge [sflag:s30], $0x4000  }
0x81: {  	[sflag:s30] =	ssyncset.done $0x0  }
0x82: {  	[sflag:s30] =	ssyncadd.s32 $0xFFFFC000  }
0x83: {  	_ =	swait.ge [sflag:s25], $0x80  }
0x84: {  	[sflag:s25] =	ssyncset.done $0x0  }
0x85: {  	[sflag:s25] =	ssyncadd.s32 $0xFFFFFF80  }
0x86: {  	_ =	swait.ge [sflag:s25], $0x80  }
0x87: {  	[sflag:s25] =	ssyncset.done $0x0  }
0x88: {  	[sflag:s25] =	ssyncadd.s32 $0xFFFFFF80  }
0x89: {  	[tilespmem:s26], [sflag:$0x3] =	stream.indirect.gather [hbm4b:s4+s20], $0x80, s3, s20, $0xb8;
	[tilespmem:$0x1C200] =	vst v63  }
0x8a: {  	_ = 	snop  }
0x8b: {  	[spmem:s1] =	stream.indirect.scatter.add.f32 [tilespmem:s23], [sflag:$0x5], $0x80, s22, s20, $0xb8;
	[tilespmem:$0x1C200] =	vst v63  }
.Ltmp1:
0x8c: {  	_ =	swait.ge [sflag:s24], $0x4000;
	(pc) =	sbr.rel @p0 .LBB2_4-.Ltmp1, $4  }
0x8d: {  	[sflag:s24] =	ssyncset.done $0x0  }
0x8e: {  	s5 =	sadd.s32 s2, s17;
	[sflag:s24] =	ssyncadd.s32 $0xFFFFC000  }
0x8f: {  	[tilespmem:s21], [sflag:$0x2] =	stream.linear.gather [hbm4b:s5+s3], $0x80, $0x38;
	[tilespmem:$0x1C200] =	vst v63  }
0x90: {  	s2 =	sadd.s32 s2, s16  }
0x91: {  	[tilespmem:s22], [sflag:$0x2] =	stream.linear.gather [hbm4b:s2+s3], $0x80, $0x38;
	[tilespmem:$0x1C200] =	vst v63  }
0x92: {  	_ =	swait.ge [sflag:s28], $0x80  }
0x93: {  	[sflag:s28] =	ssyncset.done $0x0  }
0x94: {  	[sflag:s28] =	ssyncadd.s32 $0xFFFFFF80  }
0x95: {  	_ =	swait.ge [sflag:s28], $0x80  }
0x96: {  	[sflag:s28] =	ssyncset.done $0x0  }
0x97: {  	[sflag:s28] =	ssyncadd.s32 $0xFFFFFF80  }
0x98: {  	_ =	swait.ge [sflag:s29], $0x4000  }
0x99: {  	[sflag:s29] =	ssyncset.done $0x0  }
0x9a: {  	[sflag:s29] =	ssyncadd.s32 $0xFFFFC000  }
0x9b: {  	[tilespmem:s23], [sflag:$0x4] =	stream.indirect.gather [hbm4b:s4+s20], $0x80, s21, s20, $0xb8;
	[tilespmem:$0x1C200] =	vst v63  }
0x9c: {  	_ = 	snop  }
0x9d: {  	[spmem:s1] =	stream.indirect.scatter.add.f32 [tilespmem:s26], [sflag:$0x5], $0x80, s20, s20, $0xb8;
	[tilespmem:$0x1C200] =	vst v63  }
0x9e: {  	_ =	swait.ge [sflag:s24], $0x4000  }
0x9f: {  	[sflag:s24] =	ssyncset.done $0x0  }
0xa0: {  	[sflag:s24] =	ssyncadd.s32 $0xFFFFC000  }
0xa1: {  	_ =	swait.ge [sflag:s30], $0x4000  }
0xa2: {  	[sflag:s30] =	ssyncset.done $0x0  }
0xa3: {  	[sflag:s30] =	ssyncadd.s32 $0xFFFFC000  }
0xa4: {  	[spmem:s1] =	stream.indirect.scatter.add.f32 [tilespmem:s23], [sflag:$0x5], $0x80, s22, s20, $0xb8;
	[tilespmem:$0x1C200] =	vst v63  }
0xa5: {  	s0 =	stileid.u32;
	_ =	swait.ge [sflag:s24], $0x4000  }
0xa6: {  	s5 =	sshrl.u32 s9, $0x3;
	s31 =	sadd.s32 $0x1, s31;
	[sflag:s24] =	ssyncset.done $0x0  }
0xa7: {  	s0 =	sshll.u32 s0, $0x6;
	p0 =	sne.s32 s31, s11;
	[sflag:s24] =	ssyncadd.s32 $0xFFFFC000  }
.Ltmp2:
0xa8: {  	s0 =	sor.u32 $0x1C05, s0;
	[bflag:$0x0] =	sbarrier.arrive $0xFFFF;
	(pc) =	sbr.rel @p0 .LBB2_1-.Ltmp2, $4  }
0xa9: {  	[hbm:s10], [sflag:s0] =	dma.local [spmem:s5], $0x2800  }
0xaa: {  	_ =	swait.ge [sflag:s24], $0x2800  }
0xab: {  	[sflag:s24] =	ssyncset.done $0x0  }
0xac: {  	[sflag:s24] =	ssyncadd.s32 $0xFFFFD800  }
0xad: {  	_ =	sfence.sel $0x180000  }
0xae: {  	[bflag:$0x0] =	sbarrier.arrive $0xFFFF  }
0xaf: {  	_ =	strace $0x9000004A  }
0xb0: {  	s0 =	stileid.u32;
	[bflag:$0x2] =	sbarrier.arrive $0xFFFF  }
0xb1: {  	p0 =	sne.s32 s0, $0x0;
	s0 =	rddreg [dreg:$0x2]  }
0xb2: {  	s0 =	sadd.s32 @!p0 $0x100000, s0  }
0xb3: {  	[sflag:s0] =	ssyncadd.tile.s32 @!p0 $0x1;
	_ =	shalt  }
.Lfunc_end2:
_tile_overlayer_lowered:
.L_overlay_start_2:
0xb4: {  	(tag) =	ssettag $0x2  }
0xb5: {  	s0 =	rddreg [dreg:$0x0];
	s2 =	stileid.u32  }
0xb6: {  	s1 =	rddreg [dreg:$0x1];
	p0 =	sne.s32 s2, $0x0  }
0xb7: {  	s3 =	rddreg [dreg:$0x2];
	[bflag:$0x3] =	sbarrier.arrive $0xFFFF;
	s2 =	simm.s32 @!p0 $0x1C05  }
0xb8: {  	[timem:s3], [sflag:s2] =	dma.local @!p0 [hbm:s0], s1  }
0xb9: {  	s0 =	simm.s32 @!p0 $0x5  }
0xba: {  	_ =	swait.ge @!p0 [sflag:s0], s1  }
0xbb: {  	s1 =	ssub.s32 @!p0 $0x0, s1;
	[sflag:s0] =	ssyncset.done @!p0 $0x0  }
0xbc: {  	[sflag:s0] =	ssyncadd.s32 @!p0 s1  }
0xbd: {  	[bflag:$0x3] =	sbarrier.arrive $0xFFFF  }
0xbe: {  	_ =	shalt  }

</sc_bundles>
